<compile_context>
chip_gen: v7x
topology: tpu7x:2x2x1
jax: 0.10.2.dev20260603
libtpu: 0.0.44.dev20260713+nightly
codegen_flags: <defaults>
</compile_context>

<pallas_src>
import functools
import jax
import jax.numpy as jnp
from jax import lax
from jax.experimental import pallas as pl
from jax.experimental.pallas import tpu as pltpu
from jax.experimental.pallas import tpu_sc as plsc

N = 10000
NP = 10240
D = 128
E = 320000
NC, NS = 2, 16
NW = NC * NS
CHUNK = 128
K = 79
EP = NW * K * CHUNK
RPT = NP // NS

def _deg_body(dst_hbm, out_hbm, acc, idx_v, ones_v, zb_v):
    c = lax.axis_index("c")
    s = lax.axis_index("s")
    wid = c * NS + s

    def fill_ones(i, _):
        ones_v[pl.ds(i * 16, 16)] = jnp.ones((16,), jnp.float32)
        return 0

    lax.fori_loop(0, CHUNK // 16, fill_ones, 0)

    def fill_zeros(i, _):
        zb_v[pl.ds(i * 16, 16)] = jnp.zeros((16,), jnp.float32)
        return 0

    lax.fori_loop(0, RPT // 16, fill_zeros, 0)
    pltpu.sync_copy(zb_v, acc.at[pl.ds(s * RPT, RPT)])
    pltpu.sync_copy(dst_hbm.at[wid], idx_v)
    plsc.subcore_barrier()

    def step(j, _):
        pltpu.sync_copy(ones_v, acc.at[idx_v.at[j]], add=True)
        return 0

    lax.fori_loop(0, K, step, 0)
    plsc.subcore_barrier()
    pltpu.sync_copy(acc.at[pl.ds(s * RPT, RPT)], out_hbm.at[c, pl.ds(s * RPT, RPT)])


def _msg_body(g_hbm, src_hbm, dst_hbm, out_hbm, acc, sidx_v, didx_v, rows_v, sem):
    c = lax.axis_index("c")
    s = lax.axis_index("s")
    wid = c * NS + s

    def zr(i, _):
        rows_v[i // 8, pl.ds((i % 8) * 16, 16)] = jnp.zeros((16,), jnp.float32)
        return 0

    lax.fori_loop(0, CHUNK * (D // 16), zr, 0)
    for b in range(RPT // CHUNK):
        pltpu.sync_copy(rows_v, acc.at[pl.ds(s * RPT + b * CHUNK, CHUNK)])
    pltpu.sync_copy(src_hbm.at[wid], sidx_v)
    pltpu.sync_copy(dst_hbm.at[wid], didx_v)
    plsc.subcore_barrier()

    def step(j, _):
        pltpu.async_copy(g_hbm.at[sidx_v.at[j]], rows_v, sem).wait()
        pltpu.sync_copy(rows_v, acc.at[didx_v.at[j]], add=True)
        return 0

    lax.fori_loop(0, K, step, 0)
    plsc.subcore_barrier()
    pltpu.sync_copy(
        acc.at[pl.ds(s * RPT, RPT)], out_hbm.at[c, pl.ds(s * RPT, RPT)]
    )


@functools.cache
def _sc_kernels():
    mesh = plsc.VectorSubcoreMesh(
        core_axis_name="c", subcore_axis_name="s", num_cores=NC, num_subcores=NS
    )
    deg_kernel = functools.partial(
        pl.kernel,
        out_type=jax.ShapeDtypeStruct((NC, NP), jnp.float32),
        mesh=mesh,
        scratch_types=[
            pltpu.VMEM_SHARED((NP,), jnp.float32),
            pltpu.VMEM((K, CHUNK), jnp.int32),
            pltpu.VMEM((CHUNK,), jnp.float32),
            pltpu.VMEM((RPT,), jnp.float32),
        ],
    )(_deg_body)
    msg_kernel = functools.partial(
        pl.kernel,
        out_type=jax.ShapeDtypeStruct((NC, NP, D), jnp.float32),
        mesh=mesh,
        scratch_types=[
            pltpu.VMEM_SHARED((NP, D), jnp.float32),
            pltpu.VMEM((K, CHUNK), jnp.int32),
            pltpu.VMEM((K, CHUNK), jnp.int32),
            pltpu.VMEM((CHUNK, D), jnp.float32),
            pltpu.SemaphoreType.DMA,
        ],
    )(_msg_body)
    return deg_kernel, msg_kernel



BM = 1000
_GRID = (N // BM,)


def _dis(deg_ref):
    degt = deg_ref[..., 0:1] + deg_ref[..., 1:2] + 1.0
    return lax.rsqrt(degt)


def _l1_body(deg_ref, x_ref, w_ref, g_ref):
    dis = _dis(deg_ref)
    h = jnp.dot(x_ref[...], w_ref[...], preferred_element_type=jnp.float32)
    g_ref[...] = h * dis


def _l2_body(deg_ref, s1a_ref, s1b_ref, g1_ref, b1_ref, w_ref, g2_ref):
    dis = _dis(deg_ref)
    pre = (s1a_ref[...] + s1b_ref[...] + g1_ref[...]) * dis + b1_ref[...]
    x2 = jnp.maximum(pre, 0.0)
    g2_ref[...] = jnp.dot(x2, w_ref[...], preferred_element_type=jnp.float32) * dis


def _out_body(deg_ref, s2a_ref, s2b_ref, g2_ref, b2_ref, o_ref):
    dis = _dis(deg_ref)
    o_ref[...] = (s2a_ref[...] + s2b_ref[...] + g2_ref[...]) * dis + b2_ref[...]


_bm_spec = pl.BlockSpec((BM, D), lambda i: (i, 0))
_deg_spec = pl.BlockSpec((BM, 2), lambda i: (i, 0))
_w_spec = pl.BlockSpec((D, D), lambda i: (0, 0))
_b_spec = pl.BlockSpec((1, D), lambda i: (0, 0))
_f32 = jnp.float32

_l1_call = pl.pallas_call(
    _l1_body,
    grid=_GRID,
    in_specs=[_deg_spec, _bm_spec, _w_spec],
    out_specs=_bm_spec,
    out_shape=jax.ShapeDtypeStruct((NP, D), _f32),
)

_l2_call = pl.pallas_call(
    _l2_body,
    grid=_GRID,
    in_specs=[_deg_spec, _bm_spec, _bm_spec, _bm_spec, _b_spec, _w_spec],
    out_specs=_bm_spec,
    out_shape=jax.ShapeDtypeStruct((NP, D), _f32),
)

_out_call = pl.pallas_call(
    _out_body,
    grid=_GRID,
    in_specs=[_deg_spec, _bm_spec, _bm_spec, _bm_spec, _b_spec],
    out_specs=_bm_spec,
    out_shape=jax.ShapeDtypeStruct((N, D), _f32),
)


def kernel(x, edge_index, W1, b1, W2, b2):
    ppt = K * CHUNK - E // NW
    src = edge_index[0].astype(jnp.int32).reshape(NW, E // NW)
    dst = edge_index[1].astype(jnp.int32).reshape(NW, E // NW)
    pad_src = jnp.full((NW, ppt), N, jnp.int32)
    pad_dst = jnp.broadcast_to(N + jnp.arange(ppt, dtype=jnp.int32), (NW, ppt))
    src = jnp.concatenate([src, pad_src], axis=1).reshape(NW, K, CHUNK)
    dst = jnp.concatenate([dst, pad_dst], axis=1).reshape(NW, K, CHUNK)

    deg_kernel, msg_kernel = _sc_kernels()
    deg = deg_kernel(dst)
    degt = jnp.transpose(deg)

    g1 = _l1_call(degt, x, W1)
    s1 = msg_kernel(g1, src, dst)
    g2 = _l2_call(degt, s1[0], s1[1], g1, b1.reshape(1, D), W2)
    s2 = msg_kernel(g2, src, dst)
    return _out_call(degt, s2[0], s2[1], g2, b2.reshape(1, D))

# --- scband reference (transcript-rebuilt; emitter-appended) ---
"""Pipeline reference for scband-gcn-80788334838501 (READ-ONLY COPY).

The authoritative reference and input builder live on the scoring server;
editing this copy changes nothing except your own understanding.
"""

import jax, jax.numpy as jnp
import numpy as np

N_NODES = 10000
N_EDGES = 320000
D_IN = 128
D_HID = 128
D_OUT = 128


def setup_inputs(seed: int = 0) -> dict:
    key = jax.random.key(seed)
    k1, k2, k3, k4, k5, k6 = jax.random.split(key, 6)
    x = jax.random.normal(k1, (N_NODES, D_IN), dtype=jnp.float32)
    edge_index = jax.random.randint(k2, (2, N_EDGES), 0, N_NODES, dtype=jnp.int64)
    # Glorot-style init for GCNConv weights, zero bias (PyG defaults)
    s1 = (6.0 / (D_IN + D_HID)) ** 0.5
    W1 = jax.random.uniform(k3, (D_IN, D_HID), dtype=jnp.float32, minval=-s1, maxval=s1)
    b1 = jnp.zeros((D_HID,), dtype=jnp.float32)
    s2 = (6.0 / (D_HID + D_OUT)) ** 0.5
    W2 = jax.random.uniform(k4, (D_HID, D_OUT), dtype=jnp.float32, minval=-s2, maxval=s2)
    b2 = jnp.zeros((D_OUT,), dtype=jnp.float32)
    return {"x": x, "edge_index": edge_index, "W1": W1, "b1": b1, "W2": W2, "b2": b2}


def gcn_conv(x, edge_index, W, b, num_nodes):
    # x' = D^{-1/2} (A + I) D^{-1/2} X W + b   (PyG GCNConv with add_self_loops=True)
    h = x @ W
    src = edge_index[0]
    dst = edge_index[1]
    loop = jnp.arange(num_nodes, dtype=edge_index.dtype)
    src = jnp.concatenate([src, loop])
    dst = jnp.concatenate([dst, loop])
    ones = jnp.ones(src.shape[0], dtype=h.dtype)
    deg = jnp.zeros((num_nodes,), dtype=h.dtype).at[dst].add(ones)
    deg_inv_sqrt = jnp.where(deg > 0, jax.lax.rsqrt(jnp.maximum(deg, 1e-12)), 0.0)
    norm = deg_inv_sqrt[src] * deg_inv_sqrt[dst]
    msg = h[src] * norm[:, None]
    out = jnp.zeros_like(h).at[dst].add(msg)
    return out + b


def reference(x, edge_index, W1, b1, W2, b2):
    num_nodes = x.shape[0]
    h = gcn_conv(x, edge_index, W1, b1, num_nodes)
    h = jax.nn.relu(h)
    # dropout p=0.5 is identity in eval mode (training=False)
    out = gcn_conv(h, edge_index, W2, b2, num_nodes)
    return out

if __name__ == "__main__":
    import jax
    _d = setup_inputs()
    print(jax.jit(kernel)(*tuple(_d.values())))

</pallas_src>

<mosaic_0001>
#map = affine_map<(d0, d1) -> (0, 0)>
#map1 = affine_map<(d0, d1) -> (0, 0, 0)>
module attributes {stable_mosaic.version = 14 : i64} {
  func.func @_msg_body(%arg0: i32, %arg1: i32, %arg2: memref<10240x128xf32, #tpu.memory_space<hbm>>, %arg3: memref<32x79x128xi32, #tpu.memory_space<hbm>>, %arg4: memref<32x79x128xi32, #tpu.memory_space<hbm>>, %arg5: memref<2x10240x128xf32, #tpu.memory_space<hbm>>, %arg6: memref<10240x128xf32, #tpu.memory_space<vmem_shared>>, %arg7: memref<79x128xi32, #tpu.memory_space<vmem>>, %arg8: memref<79x128xi32, #tpu.memory_space<vmem>>, %arg9: memref<128x128xf32, #tpu.memory_space<vmem>>, %arg10: memref<!tpu.dma_semaphore, #tpu.memory_space<semaphore_mem>>) attributes {dimension_semantics = [#tpu.dimension_semantics<core_parallel>, #tpu.dimension_semantics<subcore_parallel>], iteration_bounds = array<i64: 2, 16>, scalar_prefetch = 0 : i64, scratch_operands = 5 : i64, tpu.core_type = #tpu.core_type<sc_vector_subcore>, window_params = [{transform_indices = #map}, {transform_indices = #map1}, {transform_indices = #map1}, {transform_indices = #map1}]} {
    %mul3A = arith.constant 16 : i32
    %mul3A_0 = arith.muli %arg0, %mul3A : i32
    %add3A = arith.addi %mul3A_0, %arg1 : i32
    %scan3A = arith.constant 0 : i32
    %scan3A_1 = arith.constant 0 : i32
    %scan3A_2 = arith.constant 1024 : i32
    %scan3A_3 = arith.addi %scan3A_1, %scan3A_2 : i32
    %scan3A_4 = arith.constant 1 : i32
    %scan3A_5 = scf.for %scan3A_39 = %scan3A_1 to %scan3A_3 step %scan3A_4 iter_args(%scan3A_40 = %scan3A) -> (i32)  : i32 {
      %broadcast_in_dim3A = arith.constant 0.000000e+00 : f32
      %broadcast_in_dim3A_41 = vector.broadcast %broadcast_in_dim3A : f32 to vector<16xf32>
      %jit3A = arith.constant 8 : i32
      %div3A = arith.divsi %scan3A_39, %jit3A : i32
      %sign3A = arith.constant 0 : i32
      %sign3A_42 = arith.cmpi sgt, %scan3A_39, %sign3A : i32
      %sign3A_43 = arith.extui %sign3A_42 : i1 to i32
      %sign3A_44 = arith.constant 0 : i32
      %sign3A_45 = arith.cmpi slt, %scan3A_39, %sign3A_44 : i32
      %sign3A_46 = arith.extui %sign3A_45 : i1 to i32
      %sign3A_47 = arith.subi %sign3A_43, %sign3A_46 : i32
      %sign3A_48 = arith.constant 0 : i32
      %sign3A_49 = arith.cmpi sgt, %jit3A, %sign3A_48 : i32
      %sign3A_50 = arith.extui %sign3A_49 : i1 to i32
      %sign3A_51 = arith.constant 0 : i32
      %sign3A_52 = arith.cmpi slt, %jit3A, %sign3A_51 : i32
      %sign3A_53 = arith.extui %sign3A_52 : i1 to i32
      %sign3A_54 = arith.subi %sign3A_50, %sign3A_53 : i32
      %ne3A = arith.cmpi ne, %sign3A_47, %sign3A_54 : i32
      %rem3A = arith.remsi %scan3A_39, %jit3A : i32
      %ne3A_55 = arith.constant 0 : i32
      %ne3A_56 = arith.cmpi ne, %rem3A, %ne3A_55 : i32
      %and3A = arith.andi %ne3A, %ne3A_56 : i1
      %sub3A = arith.constant 1 : i32
      %sub3A_57 = arith.subi %div3A, %sub3A : i32
      %select_n3A = arith.select %and3A, %sub3A_57, %div3A : i32
      %jit3A_58 = arith.constant 8 : i32
      %eq3A = arith.constant 0 : i32
      %eq3A_59 = arith.cmpi eq, %jit3A_58, %eq3A : i32
      %jit3A_60 = arith.constant 1 : i32
      %select_n3A_61 = arith.select %eq3A_59, %jit3A_60, %jit3A_58 : i32
      %rem3A_62 = arith.remsi %scan3A_39, %select_n3A_61 : i32
      %ne3A_63 = arith.constant 0 : i32
      %ne3A_64 = arith.cmpi ne, %rem3A_62, %ne3A_63 : i32
      %lt3A = arith.constant 0 : i32
      %lt3A_65 = arith.cmpi slt, %rem3A_62, %lt3A : i32
      %lt3A_66 = arith.constant 0 : i32
      %lt3A_67 = arith.cmpi slt, %select_n3A_61, %lt3A_66 : i32
      %ne3A_68 = arith.xori %lt3A_65, %lt3A_67 : i1
      %and3A_69 = arith.andi %ne3A_68, %ne3A_64 : i1
      %add3A_70 = arith.addi %rem3A_62, %select_n3A_61 : i32
      %select_n3A_71 = arith.select %and3A_69, %add3A_70, %rem3A_62 : i32
      %mul3A_72 = arith.constant 16 : i32
      %mul3A_73 = arith.muli %select_n3A_71, %mul3A_72 : i32
      %swap3A = arith.index_cast %select_n3A : i32 to index
      %swap3A_74 = arith.index_cast %mul3A_73 : i32 to index
      %swap3A_75 = tpu.vector_load %arg9[%swap3A, %swap3A_74] {strides = array<i32>} : memref<128x128xf32, #tpu.memory_space<vmem>>, vector<1x16xf32>,
      %swap3A_76 = vector.shape_cast %swap3A_75 : vector<1x16xf32> to vector<16xf32>
      %swap3A_77 = vector.shape_cast %broadcast_in_dim3A_41 : vector<16xf32> to vector<1x16xf32>
      tpu.vector_store %arg9[%swap3A, %swap3A_74], %swap3A_77 {strides = array<i32>} : memref<128x128xf32, #tpu.memory_space<vmem>>, vector<1x16xf32>,
      %scan3A_78 = arith.constant 0 : i32
      scf.yield %scan3A_78 : i32
    }
    %scan3A_6 = arith.constant 1024 : i32
    %mul3A_7 = arith.constant 640 : i32
    %mul3A_8 = arith.muli %arg1, %mul3A_7 : i32
    %add3A_9 = arith.constant 0 : i32
    %add3A_10 = arith.addi %mul3A_8, %add3A_9 : i32
    "tpu.region"() ({
      %run_scoped3A = tpu.sem_alloc : memref<!tpu.dma_semaphore, #tpu.memory_space<semaphore_mem>>
      %dma_start3A = arith.constant 0 : i32
      %dma_start3A_39 = tpu.memref_slice %arg6[%add3A_10, %dma_start3A] : memref<10240x128xf32, #tpu.memory_space<vmem_shared>> -> memref<128x128xf32, #tpu.memory_space<vmem_shared>>
      %dma_start3A_40 = arith.constant 0 : i32
      %dma_start3A_41 = tpu.memref_slice %arg6[%add3A_10, %dma_start3A_40] : memref<10240x128xf32, #tpu.memory_space<vmem_shared>> -> memref<128x128xf32, #tpu.memory_space<vmem_shared>>
      tpu.enqueue_dma source(%arg9 : memref<128x128xf32, #tpu.memory_space<vmem>>) target(%dma_start3A_41 : memref<128x128xf32, #tpu.memory_space<vmem_shared>>) target_semaphore(%run_scoped3A : memref<!tpu.dma_semaphore, #tpu.memory_space<semaphore_mem>>)
      %dma_wait3A = arith.constant 0 : i32
      %dma_wait3A_42 = tpu.memref_slice %arg6[%add3A_10, %dma_wait3A] : memref<10240x128xf32, #tpu.memory_space<vmem_shared>> -> memref<128x128xf32, #tpu.memory_space<vmem_shared>>
      %dma_wait3A_43 = arith.constant 0 : i32
      %dma_wait3A_44 = tpu.memref_slice %arg6[%add3A_10, %dma_wait3A_43] : memref<10240x128xf32, #tpu.memory_space<vmem_shared>> -> memref<128x128xf32, #tpu.memory_space<vmem_shared>>
      tpu.wait_dma2 semaphore(%run_scoped3A : memref<!tpu.dma_semaphore, #tpu.memory_space<semaphore_mem>>) src(%arg9 : memref<128x128xf32, #tpu.memory_space<vmem>>) dst(%dma_wait3A_44 : memref<128x128xf32, #tpu.memory_space<vmem_shared>>)
      tpu.yield
    }) : () -> ()
    %mul3A_11 = arith.constant 640 : i32
    %mul3A_12 = arith.muli %arg1, %mul3A_11 : i32
    %add3A_13 = arith.constant 128 : i32
    %add3A_14 = arith.addi %mul3A_12, %add3A_13 : i32
    "tpu.region"() ({
      %run_scoped3A = tpu.sem_alloc : memref<!tpu.dma_semaphore, #tpu.memory_space<semaphore_mem>>
      %dma_start3A = arith.constant 0 : i32
      %dma_start3A_39 = tpu.memref_slice %arg6[%add3A_14, %dma_start3A] : memref<10240x128xf32, #tpu.memory_space<vmem_shared>> -> memref<128x128xf32, #tpu.memory_space<vmem_shared>>
      %dma_start3A_40 = arith.constant 0 : i32
      %dma_start3A_41 = tpu.memref_slice %arg6[%add3A_14, %dma_start3A_40] : memref<10240x128xf32, #tpu.memory_space<vmem_shared>> -> memref<128x128xf32, #tpu.memory_space<vmem_shared>>
      tpu.enqueue_dma source(%arg9 : memref<128x128xf32, #tpu.memory_space<vmem>>) target(%dma_start3A_41 : memref<128x128xf32, #tpu.memory_space<vmem_shared>>) target_semaphore(%run_scoped3A : memref<!tpu.dma_semaphore, #tpu.memory_space<semaphore_mem>>)
      %dma_wait3A = arith.constant 0 : i32
      %dma_wait3A_42 = tpu.memref_slice %arg6[%add3A_14, %dma_wait3A] : memref<10240x128xf32, #tpu.memory_space<vmem_shared>> -> memref<128x128xf32, #tpu.memory_space<vmem_shared>>
      %dma_wait3A_43 = arith.constant 0 : i32
      %dma_wait3A_44 = tpu.memref_slice %arg6[%add3A_14, %dma_wait3A_43] : memref<10240x128xf32, #tpu.memory_space<vmem_shared>> -> memref<128x128xf32, #tpu.memory_space<vmem_shared>>
      tpu.wait_dma2 semaphore(%run_scoped3A : memref<!tpu.dma_semaphore, #tpu.memory_space<semaphore_mem>>) src(%arg9 : memref<128x128xf32, #tpu.memory_space<vmem>>) dst(%dma_wait3A_44 : memref<128x128xf32, #tpu.memory_space<vmem_shared>>)
      tpu.yield
    }) : () -> ()
    %mul3A_15 = arith.constant 640 : i32
    %mul3A_16 = arith.muli %arg1, %mul3A_15 : i32
    %add3A_17 = arith.constant 256 : i32
    %add3A_18 = arith.addi %mul3A_16, %add3A_17 : i32
    "tpu.region"() ({
      %run_scoped3A = tpu.sem_alloc : memref<!tpu.dma_semaphore, #tpu.memory_space<semaphore_mem>>
      %dma_start3A = arith.constant 0 : i32
      %dma_start3A_39 = tpu.memref_slice %arg6[%add3A_18, %dma_start3A] : memref<10240x128xf32, #tpu.memory_space<vmem_shared>> -> memref<128x128xf32, #tpu.memory_space<vmem_shared>>
      %dma_start3A_40 = arith.constant 0 : i32
      %dma_start3A_41 = tpu.memref_slice %arg6[%add3A_18, %dma_start3A_40] : memref<10240x128xf32, #tpu.memory_space<vmem_shared>> -> memref<128x128xf32, #tpu.memory_space<vmem_shared>>
      tpu.enqueue_dma source(%arg9 : memref<128x128xf32, #tpu.memory_space<vmem>>) target(%dma_start3A_41 : memref<128x128xf32, #tpu.memory_space<vmem_shared>>) target_semaphore(%run_scoped3A : memref<!tpu.dma_semaphore, #tpu.memory_space<semaphore_mem>>)
      %dma_wait3A = arith.constant 0 : i32
      %dma_wait3A_42 = tpu.memref_slice %arg6[%add3A_18, %dma_wait3A] : memref<10240x128xf32, #tpu.memory_space<vmem_shared>> -> memref<128x128xf32, #tpu.memory_space<vmem_shared>>
      %dma_wait3A_43 = arith.constant 0 : i32
      %dma_wait3A_44 = tpu.memref_slice %arg6[%add3A_18, %dma_wait3A_43] : memref<10240x128xf32, #tpu.memory_space<vmem_shared>> -> memref<128x128xf32, #tpu.memory_space<vmem_shared>>
      tpu.wait_dma2 semaphore(%run_scoped3A : memref<!tpu.dma_semaphore, #tpu.memory_space<semaphore_mem>>) src(%arg9 : memref<128x128xf32, #tpu.memory_space<vmem>>) dst(%dma_wait3A_44 : memref<128x128xf32, #tpu.memory_space<vmem_shared>>)
      tpu.yield
    }) : () -> ()
    %mul3A_19 = arith.constant 640 : i32
    %mul3A_20 = arith.muli %arg1, %mul3A_19 : i32
    %add3A_21 = arith.constant 384 : i32
    %add3A_22 = arith.addi %mul3A_20, %add3A_21 : i32
    "tpu.region"() ({
      %run_scoped3A = tpu.sem_alloc : memref<!tpu.dma_semaphore, #tpu.memory_space<semaphore_mem>>
      %dma_start3A = arith.constant 0 : i32
      %dma_start3A_39 = tpu.memref_slice %arg6[%add3A_22, %dma_start3A] : memref<10240x128xf32, #tpu.memory_space<vmem_shared>> -> memref<128x128xf32, #tpu.memory_space<vmem_shared>>
      %dma_start3A_40 = arith.constant 0 : i32
      %dma_start3A_41 = tpu.memref_slice %arg6[%add3A_22, %dma_start3A_40] : memref<10240x128xf32, #tpu.memory_space<vmem_shared>> -> memref<128x128xf32, #tpu.memory_space<vmem_shared>>
      tpu.enqueue_dma source(%arg9 : memref<128x128xf32, #tpu.memory_space<vmem>>) target(%dma_start3A_41 : memref<128x128xf32, #tpu.memory_space<vmem_shared>>) target_semaphore(%run_scoped3A : memref<!tpu.dma_semaphore, #tpu.memory_space<semaphore_mem>>)
      %dma_wait3A = arith.constant 0 : i32
      %dma_wait3A_42 = tpu.memref_slice %arg6[%add3A_22, %dma_wait3A] : memref<10240x128xf32, #tpu.memory_space<vmem_shared>> -> memref<128x128xf32, #tpu.memory_space<vmem_shared>>
      %dma_wait3A_43 = arith.constant 0 : i32
      %dma_wait3A_44 = tpu.memref_slice %arg6[%add3A_22, %dma_wait3A_43] : memref<10240x128xf32, #tpu.memory_space<vmem_shared>> -> memref<128x128xf32, #tpu.memory_space<vmem_shared>>
      tpu.wait_dma2 semaphore(%run_scoped3A : memref<!tpu.dma_semaphore, #tpu.memory_space<semaphore_mem>>) src(%arg9 : memref<128x128xf32, #tpu.memory_space<vmem>>) dst(%dma_wait3A_44 : memref<128x128xf32, #tpu.memory_space<vmem_shared>>)
      tpu.yield
    }) : () -> ()
    %mul3A_23 = arith.constant 640 : i32
    %mul3A_24 = arith.muli %arg1, %mul3A_23 : i32
    %add3A_25 = arith.constant 512 : i32
    %add3A_26 = arith.addi %mul3A_24, %add3A_25 : i32
    "tpu.region"() ({
      %run_scoped3A = tpu.sem_alloc : memref<!tpu.dma_semaphore, #tpu.memory_space<semaphore_mem>>
      %dma_start3A = arith.constant 0 : i32
      %dma_start3A_39 = tpu.memref_slice %arg6[%add3A_26, %dma_start3A] : memref<10240x128xf32, #tpu.memory_space<vmem_shared>> -> memref<128x128xf32, #tpu.memory_space<vmem_shared>>
      %dma_start3A_40 = arith.constant 0 : i32
      %dma_start3A_41 = tpu.memref_slice %arg6[%add3A_26, %dma_start3A_40] : memref<10240x128xf32, #tpu.memory_space<vmem_shared>> -> memref<128x128xf32, #tpu.memory_space<vmem_shared>>
      tpu.enqueue_dma source(%arg9 : memref<128x128xf32, #tpu.memory_space<vmem>>) target(%dma_start3A_41 : memref<128x128xf32, #tpu.memory_space<vmem_shared>>) target_semaphore(%run_scoped3A : memref<!tpu.dma_semaphore, #tpu.memory_space<semaphore_mem>>)
      %dma_wait3A = arith.constant 0 : i32
      %dma_wait3A_42 = tpu.memref_slice %arg6[%add3A_26, %dma_wait3A] : memref<10240x128xf32, #tpu.memory_space<vmem_shared>> -> memref<128x128xf32, #tpu.memory_space<vmem_shared>>
      %dma_wait3A_43 = arith.constant 0 : i32
      %dma_wait3A_44 = tpu.memref_slice %arg6[%add3A_26, %dma_wait3A_43] : memref<10240x128xf32, #tpu.memory_space<vmem_shared>> -> memref<128x128xf32, #tpu.memory_space<vmem_shared>>
      tpu.wait_dma2 semaphore(%run_scoped3A : memref<!tpu.dma_semaphore, #tpu.memory_space<semaphore_mem>>) src(%arg9 : memref<128x128xf32, #tpu.memory_space<vmem>>) dst(%dma_wait3A_44 : memref<128x128xf32, #tpu.memory_space<vmem_shared>>)
      tpu.yield
    }) : () -> ()
    "tpu.region"() ({
      %run_scoped3A = tpu.sem_alloc : memref<!tpu.dma_semaphore, #tpu.memory_space<semaphore_mem>>
      %dma_start3A = arith.constant 0 : i32
      %dma_start3A_39 = arith.constant 0 : i32
      %dma_start3A_40 = tpu.memref_slice %arg3[%add3A, %dma_start3A, %dma_start3A_39] : memref<32x79x128xi32, #tpu.memory_space<hbm>> -> memref<1x79x128xi32, #tpu.memory_space<hbm>>
      %dma_start3A_41 = tpu.memref_squeeze %dma_start3A_40 : memref<1x79x128xi32, #tpu.memory_space<hbm>> -> memref<79x128xi32, #tpu.memory_space<hbm>>
      %dma_start3A_42 = arith.constant 0 : i32
      %dma_start3A_43 = arith.constant 0 : i32
      %dma_start3A_44 = tpu.memref_slice %arg3[%add3A, %dma_start3A_42, %dma_start3A_43] : memref<32x79x128xi32, #tpu.memory_space<hbm>> -> memref<1x79x128xi32, #tpu.memory_space<hbm>>
      %dma_start3A_45 = tpu.memref_squeeze %dma_start3A_44 : memref<1x79x128xi32, #tpu.memory_space<hbm>> -> memref<79x128xi32, #tpu.memory_space<hbm>>
      tpu.enqueue_dma source(%dma_start3A_45 : memref<79x128xi32, #tpu.memory_space<hbm>>) target(%arg7 : memref<79x128xi32, #tpu.memory_space<vmem>>) target_semaphore(%run_scoped3A : memref<!tpu.dma_semaphore, #tpu.memory_space<semaphore_mem>>)
      %dma_wait3A = arith.constant 0 : i32
      %dma_wait3A_46 = arith.constant 0 : i32
      %dma_wait3A_47 = tpu.memref_slice %arg3[%add3A, %dma_wait3A, %dma_wait3A_46] : memref<32x79x128xi32, #tpu.memory_space<hbm>> -> memref<1x79x128xi32, #tpu.memory_space<hbm>>
      %dma_wait3A_48 = tpu.memref_squeeze %dma_wait3A_47 : memref<1x79x128xi32, #tpu.memory_space<hbm>> -> memref<79x128xi32, #tpu.memory_space<hbm>>
      %dma_wait3A_49 = arith.constant 0 : i32
      %dma_wait3A_50 = arith.constant 0 : i32
      %dma_wait3A_51 = tpu.memref_slice %arg3[%add3A, %dma_wait3A_49, %dma_wait3A_50] : memref<32x79x128xi32, #tpu.memory_space<hbm>> -> memref<1x79x128xi32, #tpu.memory_space<hbm>>
      %dma_wait3A_52 = tpu.memref_squeeze %dma_wait3A_51 : memref<1x79x128xi32, #tpu.memory_space<hbm>> -> memref<79x128xi32, #tpu.memory_space<hbm>>
      tpu.wait_dma2 semaphore(%run_scoped3A : memref<!tpu.dma_semaphore, #tpu.memory_space<semaphore_mem>>) src(%dma_wait3A_52 : memref<79x128xi32, #tpu.memory_space<hbm>>) dst(%arg7 : memref<79x128xi32, #tpu.memory_space<vmem>>)
      tpu.yield
    }) : () -> ()
    "tpu.region"() ({
      %run_scoped3A = tpu.sem_alloc : memref<!tpu.dma_semaphore, #tpu.memory_space<semaphore_mem>>
      %dma_start3A = arith.constant 0 : i32
      %dma_start3A_39 = arith.constant 0 : i32
      %dma_start3A_40 = tpu.memref_slice %arg4[%add3A, %dma_start3A, %dma_start3A_39] : memref<32x79x128xi32, #tpu.memory_space<hbm>> -> memref<1x79x128xi32, #tpu.memory_space<hbm>>
      %dma_start3A_41 = tpu.memref_squeeze %dma_start3A_40 : memref<1x79x128xi32, #tpu.memory_space<hbm>> -> memref<79x128xi32, #tpu.memory_space<hbm>>
      %dma_start3A_42 = arith.constant 0 : i32
      %dma_start3A_43 = arith.constant 0 : i32
      %dma_start3A_44 = tpu.memref_slice %arg4[%add3A, %dma_start3A_42, %dma_start3A_43] : memref<32x79x128xi32, #tpu.memory_space<hbm>> -> memref<1x79x128xi32, #tpu.memory_space<hbm>>
      %dma_start3A_45 = tpu.memref_squeeze %dma_start3A_44 : memref<1x79x128xi32, #tpu.memory_space<hbm>> -> memref<79x128xi32, #tpu.memory_space<hbm>>
      tpu.enqueue_dma source(%dma_start3A_45 : memref<79x128xi32, #tpu.memory_space<hbm>>) target(%arg8 : memref<79x128xi32, #tpu.memory_space<vmem>>) target_semaphore(%run_scoped3A : memref<!tpu.dma_semaphore, #tpu.memory_space<semaphore_mem>>)
      %dma_wait3A = arith.constant 0 : i32
      %dma_wait3A_46 = arith.constant 0 : i32
      %dma_wait3A_47 = tpu.memref_slice %arg4[%add3A, %dma_wait3A, %dma_wait3A_46] : memref<32x79x128xi32, #tpu.memory_space<hbm>> -> memref<1x79x128xi32, #tpu.memory_space<hbm>>
      %dma_wait3A_48 = tpu.memref_squeeze %dma_wait3A_47 : memref<1x79x128xi32, #tpu.memory_space<hbm>> -> memref<79x128xi32, #tpu.memory_space<hbm>>
      %dma_wait3A_49 = arith.constant 0 : i32
      %dma_wait3A_50 = arith.constant 0 : i32
      %dma_wait3A_51 = tpu.memref_slice %arg4[%add3A, %dma_wait3A_49, %dma_wait3A_50] : memref<32x79x128xi32, #tpu.memory_space<hbm>> -> memref<1x79x128xi32, #tpu.memory_space<hbm>>
      %dma_wait3A_52 = tpu.memref_squeeze %dma_wait3A_51 : memref<1x79x128xi32, #tpu.memory_space<hbm>> -> memref<79x128xi32, #tpu.memory_space<hbm>>
      tpu.wait_dma2 semaphore(%run_scoped3A : memref<!tpu.dma_semaphore, #tpu.memory_space<semaphore_mem>>) src(%dma_wait3A_52 : memref<79x128xi32, #tpu.memory_space<hbm>>) dst(%arg8 : memref<79x128xi32, #tpu.memory_space<vmem>>)
      tpu.yield
    }) : () -> ()
    %barrier3A = arith.constant 0 : index
    tpu.barrier barrier_id(%barrier3A)
    %scan3A_27 = arith.constant 0 : i32
    %scan3A_28 = arith.constant 0 : i32
    %scan3A_29 = arith.constant 79 : i32
    %scan3A_30 = arith.addi %scan3A_28, %scan3A_29 : i32
    %scan3A_31 = arith.constant 1 : i32
    %scan3A_32 = scf.for %scan3A_39 = %scan3A_28 to %scan3A_30 step %scan3A_31 iter_args(%scan3A_40 = %scan3A_27) -> (i32)  : i32 {
      %dma_start3A = arith.constant 0 : i32
      %dma_start3A_41 = tpu.memref_slice %arg7[%scan3A_39, %dma_start3A] : memref<79x128xi32, #tpu.memory_space<vmem>> -> memref<1x128xi32, #tpu.memory_space<vmem>>
      %dma_start3A_42 = tpu.memref_squeeze %dma_start3A_41 : memref<1x128xi32, #tpu.memory_space<vmem>> -> memref<128xi32, #tpu.memory_space<vmem>>
      %dma_start3A_43 = arith.constant 0 : i32
      %dma_start3A_44 = arith.constant 0 : i32
      %dma_start3A_45 = tpu.memref_slice %arg2[%dma_start3A_43, %dma_start3A_44] : memref<10240x128xf32, #tpu.memory_space<hbm>> -> memref<10240x128xf32, #tpu.memory_space<hbm>>
      tpu.enqueue_indirect_dma source(%dma_start3A_45 : memref<10240x128xf32, #tpu.memory_space<hbm>>) target(%arg9 : memref<128x128xf32, #tpu.memory_space<vmem>>) offsets(%dma_start3A_42 : memref<128xi32, #tpu.memory_space<vmem>>) semaphore(%arg10 : memref<!tpu.dma_semaphore, #tpu.memory_space<semaphore_mem>>)
      %dma_wait3A = arith.constant 0 : i32
      %dma_wait3A_46 = tpu.memref_slice %arg7[%scan3A_39, %dma_wait3A] : memref<79x128xi32, #tpu.memory_space<vmem>> -> memref<1x128xi32, #tpu.memory_space<vmem>>
      %dma_wait3A_47 = tpu.memref_squeeze %dma_wait3A_46 : memref<1x128xi32, #tpu.memory_space<vmem>> -> memref<128xi32, #tpu.memory_space<vmem>>
      %dma_wait3A_48 = arith.constant 0 : i32
      %dma_wait3A_49 = arith.constant 0 : i32
      %dma_wait3A_50 = tpu.memref_slice %arg2[%dma_wait3A_48, %dma_wait3A_49] : memref<10240x128xf32, #tpu.memory_space<hbm>> -> memref<10240x128xf32, #tpu.memory_space<hbm>>
      tpu.wait_indirect_dma semaphore(%arg10 : memref<!tpu.dma_semaphore, #tpu.memory_space<semaphore_mem>>) src(%dma_wait3A_50 : memref<10240x128xf32, #tpu.memory_space<hbm>>) dst(%arg9 : memref<128x128xf32, #tpu.memory_space<vmem>>)
      "tpu.region"() ({
        %run_scoped3A = tpu.sem_alloc : memref<!tpu.dma_semaphore, #tpu.memory_space<semaphore_mem>>
        %dma_start3A_52 = arith.constant 0 : i32
        %dma_start3A_53 = tpu.memref_slice %arg8[%scan3A_39, %dma_start3A_52] : memref<79x128xi32, #tpu.memory_space<vmem>> -> memref<1x128xi32, #tpu.memory_space<vmem>>
        %dma_start3A_54 = tpu.memref_squeeze %dma_start3A_53 : memref<1x128xi32, #tpu.memory_space<vmem>> -> memref<128xi32, #tpu.memory_space<vmem>>
        %dma_start3A_55 = arith.constant 0 : i32
        %dma_start3A_56 = arith.constant 0 : i32
        %dma_start3A_57 = tpu.memref_slice %arg6[%dma_start3A_55, %dma_start3A_56] : memref<10240x128xf32, #tpu.memory_space<vmem_shared>> -> memref<10240x128xf32, #tpu.memory_space<vmem_shared>>
        tpu.enqueue_indirect_dma source(%arg9 : memref<128x128xf32, #tpu.memory_space<vmem>>) target(%dma_start3A_57 : memref<10240x128xf32, #tpu.memory_space<vmem_shared>>) offsets(%dma_start3A_54 : memref<128xi32, #tpu.memory_space<vmem>>) semaphore(%run_scoped3A : memref<!tpu.dma_semaphore, #tpu.memory_space<semaphore_mem>>) {add = true}
        %dma_wait3A_58 = arith.constant 0 : i32
        %dma_wait3A_59 = tpu.memref_slice %arg8[%scan3A_39, %dma_wait3A_58] : memref<79x128xi32, #tpu.memory_space<vmem>> -> memref<1x128xi32, #tpu.memory_space<vmem>>
        %dma_wait3A_60 = tpu.memref_squeeze %dma_wait3A_59 : memref<1x128xi32, #tpu.memory_space<vmem>> -> memref<128xi32, #tpu.memory_space<vmem>>
        %dma_wait3A_61 = arith.constant 0 : i32
        %dma_wait3A_62 = arith.constant 0 : i32
        %dma_wait3A_63 = tpu.memref_slice %arg6[%dma_wait3A_61, %dma_wait3A_62] : memref<10240x128xf32, #tpu.memory_space<vmem_shared>> -> memref<10240x128xf32, #tpu.memory_space<vmem_shared>>
        tpu.wait_indirect_dma semaphore(%run_scoped3A : memref<!tpu.dma_semaphore, #tpu.memory_space<semaphore_mem>>) src(%arg9 : memref<128x128xf32, #tpu.memory_space<vmem>>) dst(%dma_wait3A_63 : memref<10240x128xf32, #tpu.memory_space<vmem_shared>>)
        tpu.yield
      }) : () -> ()
      %scan3A_51 = arith.constant 0 : i32
      scf.yield %scan3A_51 : i32
    }
    %scan3A_33 = arith.constant 79 : i32
    %barrier3A_34 = arith.constant 0 : index
    tpu.barrier barrier_id(%barrier3A_34)
    %mul3A_35 = arith.constant 640 : i32
    %mul3A_36 = arith.muli %arg1, %mul3A_35 : i32
    %mul3A_37 = arith.constant 640 : i32
    %mul3A_38 = arith.muli %arg1, %mul3A_37 : i32
    "tpu.region"() ({
      %run_scoped3A = tpu.sem_alloc : memref<!tpu.dma_semaphore, #tpu.memory_space<semaphore_mem>>
      %dma_start3A = arith.constant 0 : i32
      %dma_start3A_39 = tpu.memref_slice %arg5[%arg0, %mul3A_38, %dma_start3A] : memref<2x10240x128xf32, #tpu.memory_space<hbm>> -> memref<1x640x128xf32, #tpu.memory_space<hbm>>
      %dma_start3A_40 = tpu.memref_squeeze %dma_start3A_39 : memref<1x640x128xf32, #tpu.memory_space<hbm>> -> memref<640x128xf32, #tpu.memory_space<hbm>>
      %dma_start3A_41 = arith.constant 0 : i32
      %dma_start3A_42 = tpu.memref_slice %arg6[%mul3A_36, %dma_start3A_41] : memref<10240x128xf32, #tpu.memory_space<vmem_shared>> -> memref<640x128xf32, #tpu.memory_space<vmem_shared>>
      tpu.enqueue_dma source(%dma_start3A_42 : memref<640x128xf32, #tpu.memory_space<vmem_shared>>) target(%dma_start3A_40 : memref<640x128xf32, #tpu.memory_space<hbm>>) target_semaphore(%run_scoped3A : memref<!tpu.dma_semaphore, #tpu.memory_space<semaphore_mem>>)
      %dma_wait3A = arith.constant 0 : i32
      %dma_wait3A_43 = tpu.memref_slice %arg5[%arg0, %mul3A_38, %dma_wait3A] : memref<2x10240x128xf32, #tpu.memory_space<hbm>> -> memref<1x640x128xf32, #tpu.memory_space<hbm>>
      %dma_wait3A_44 = tpu.memref_squeeze %dma_wait3A_43 : memref<1x640x128xf32, #tpu.memory_space<hbm>> -> memref<640x128xf32, #tpu.memory_space<hbm>>
      %dma_wait3A_45 = arith.constant 0 : i32
      %dma_wait3A_46 = tpu.memref_slice %arg6[%mul3A_36, %dma_wait3A_45] : memref<10240x128xf32, #tpu.memory_space<vmem_shared>> -> memref<640x128xf32, #tpu.memory_space<vmem_shared>>
      tpu.wait_dma2 semaphore(%run_scoped3A : memref<!tpu.dma_semaphore, #tpu.memory_space<semaphore_mem>>) src(%dma_wait3A_46 : memref<640x128xf32, #tpu.memory_space<vmem_shared>>) dst(%dma_wait3A_44 : memref<640x128xf32, #tpu.memory_space<hbm>>)
      tpu.yield
    }) : () -> ()
    return
  }
}

#map = affine_map<(d0, d1) -> (0, 0)>
#map1 = affine_map<(d0, d1) -> (0, 0, 0)>
module attributes {stable_mosaic.version = 14 : i64} {
  func.func @_msg_body(%arg0: i32, %arg1: i32, %arg2: memref<10240x128xf32, #tpu.memory_space<hbm>>, %arg3: memref<32x79x128xi32, #tpu.memory_space<hbm>>, %arg4: memref<32x79x128xi32, #tpu.memory_space<hbm>>, %arg5: memref<2x10240x128xf32, #tpu.memory_space<hbm>>, %arg6: memref<10240x128xf32, #tpu.memory_space<vmem_shared>>, %arg7: memref<79x128xi32, #tpu.memory_space<vmem>>, %arg8: memref<79x128xi32, #tpu.memory_space<vmem>>, %arg9: memref<128x128xf32, #tpu.memory_space<vmem>>, %arg10: memref<!tpu.dma_semaphore, #tpu.memory_space<semaphore_mem>>) attributes {dimension_semantics = [#tpu.dimension_semantics<core_parallel>, #tpu.dimension_semantics<subcore_parallel>], iteration_bounds = array<i64: 2, 16>, scalar_prefetch = 0 : i64, scratch_operands = 5 : i64, tpu.core_type = #tpu.core_type<sc_vector_subcore>, window_params = [{transform_indices = #map}, {transform_indices = #map1}, {transform_indices = #map1}, {transform_indices = #map1}]} {
    %mul3A = arith.constant 16 : i32
    %mul3A_0 = arith.muli %arg0, %mul3A : i32
    %add3A = arith.addi %mul3A_0, %arg1 : i32
    %scan3A = arith.constant 0 : i32
    %scan3A_1 = arith.constant 0 : i32
    %scan3A_2 = arith.constant 1024 : i32
    %scan3A_3 = arith.addi %scan3A_1, %scan3A_2 : i32
    %scan3A_4 = arith.constant 1 : i32
    %scan3A_5 = scf.for %scan3A_39 = %scan3A_1 to %scan3A_3 step %scan3A_4 iter_args(%scan3A_40 = %scan3A) -> (i32)  : i32 {
      %broadcast_in_dim3A = arith.constant 0.000000e+00 : f32
      %broadcast_in_dim3A_41 = vector.broadcast %broadcast_in_dim3A : f32 to vector<16xf32>
      %jit3A = arith.constant 8 : i32
      %div3A = arith.divsi %scan3A_39, %jit3A : i32
      %sign3A = arith.constant 0 : i32
      %sign3A_42 = arith.cmpi sgt, %scan3A_39, %sign3A : i32
      %sign3A_43 = arith.extui %sign3A_42 : i1 to i32
      %sign3A_44 = arith.constant 0 : i32
      %sign3A_45 = arith.cmpi slt, %scan3A_39, %sign3A_44 : i32
      %sign3A_46 = arith.extui %sign3A_45 : i1 to i32
      %sign3A_47 = arith.subi %sign3A_43, %sign3A_46 : i32
      %sign3A_48 = arith.constant 0 : i32
      %sign3A_49 = arith.cmpi sgt, %jit3A, %sign3A_48 : i32
      %sign3A_50 = arith.extui %sign3A_49 : i1 to i32
      %sign3A_51 = arith.constant 0 : i32
      %sign3A_52 = arith.cmpi slt, %jit3A, %sign3A_51 : i32
      %sign3A_53 = arith.extui %sign3A_52 : i1 to i32
      %sign3A_54 = arith.subi %sign3A_50, %sign3A_53 : i32
      %ne3A = arith.cmpi ne, %sign3A_47, %sign3A_54 : i32
      %rem3A = arith.remsi %scan3A_39, %jit3A : i32
      %ne3A_55 = arith.constant 0 : i32
      %ne3A_56 = arith.cmpi ne, %rem3A, %ne3A_55 : i32
      %and3A = arith.andi %ne3A, %ne3A_56 : i1
      %sub3A = arith.constant 1 : i32
      %sub3A_57 = arith.subi %div3A, %sub3A : i32
      %select_n3A = arith.select %and3A, %sub3A_57, %div3A : i32
      %jit3A_58 = arith.constant 8 : i32
      %eq3A = arith.constant 0 : i32
      %eq3A_59 = arith.cmpi eq, %jit3A_58, %eq3A : i32
      %jit3A_60 = arith.constant 1 : i32
      %select_n3A_61 = arith.select %eq3A_59, %jit3A_60, %jit3A_58 : i32
      %rem3A_62 = arith.remsi %scan3A_39, %select_n3A_61 : i32
      %ne3A_63 = arith.constant 0 : i32
      %ne3A_64 = arith.cmpi ne, %rem3A_62, %ne3A_63 : i32
      %lt3A = arith.constant 0 : i32
      %lt3A_65 = arith.cmpi slt, %rem3A_62, %lt3A : i32
      %lt3A_66 = arith.constant 0 : i32
      %lt3A_67 = arith.cmpi slt, %select_n3A_61, %lt3A_66 : i32
      %ne3A_68 = arith.xori %lt3A_65, %lt3A_67 : i1
      %and3A_69 = arith.andi %ne3A_68, %ne3A_64 : i1
      %add3A_70 = arith.addi %rem3A_62, %select_n3A_61 : i32
      %select_n3A_71 = arith.select %and3A_69, %add3A_70, %rem3A_62 : i32
      %mul3A_72 = arith.constant 16 : i32
      %mul3A_73 = arith.muli %select_n3A_71, %mul3A_72 : i32
      %swap3A = arith.index_cast %select_n3A : i32 to index
      %swap3A_74 = arith.index_cast %mul3A_73 : i32 to index
      %swap3A_75 = tpu.vector_load %arg9[%swap3A, %swap3A_74] {strides = array<i32>} : memref<128x128xf32, #tpu.memory_space<vmem>>, vector<1x16xf32>,
      %swap3A_76 = vector.shape_cast %swap3A_75 : vector<1x16xf32> to vector<16xf32>
      %swap3A_77 = vector.shape_cast %broadcast_in_dim3A_41 : vector<16xf32> to vector<1x16xf32>
      tpu.vector_store %arg9[%swap3A, %swap3A_74], %swap3A_77 {strides = array<i32>} : memref<128x128xf32, #tpu.memory_space<vmem>>, vector<1x16xf32>,
      %scan3A_78 = arith.constant 0 : i32
      scf.yield %scan3A_78 : i32
    }
    %scan3A_6 = arith.constant 1024 : i32
    %mul3A_7 = arith.constant 640 : i32
    %mul3A_8 = arith.muli %arg1, %mul3A_7 : i32
    %add3A_9 = arith.constant 0 : i32
    %add3A_10 = arith.addi %mul3A_8, %add3A_9 : i32
    "tpu.region"() ({
      %run_scoped3A = tpu.sem_alloc : memref<!tpu.dma_semaphore, #tpu.memory_space<semaphore_mem>>
      %dma_start3A = arith.constant 0 : i32
      %dma_start3A_39 = tpu.memref_slice %arg6[%add3A_10, %dma_start3A] : memref<10240x128xf32, #tpu.memory_space<vmem_shared>> -> memref<128x128xf32, #tpu.memory_space<vmem_shared>>
      %dma_start3A_40 = arith.constant 0 : i32
      %dma_start3A_41 = tpu.memref_slice %arg6[%add3A_10, %dma_start3A_40] : memref<10240x128xf32, #tpu.memory_space<vmem_shared>> -> memref<128x128xf32, #tpu.memory_space<vmem_shared>>
      tpu.enqueue_dma source(%arg9 : memref<128x128xf32, #tpu.memory_space<vmem>>) target(%dma_start3A_41 : memref<128x128xf32, #tpu.memory_space<vmem_shared>>) target_semaphore(%run_scoped3A : memref<!tpu.dma_semaphore, #tpu.memory_space<semaphore_mem>>)
      %dma_wait3A = arith.constant 0 : i32
      %dma_wait3A_42 = tpu.memref_slice %arg6[%add3A_10, %dma_wait3A] : memref<10240x128xf32, #tpu.memory_space<vmem_shared>> -> memref<128x128xf32, #tpu.memory_space<vmem_shared>>
      %dma_wait3A_43 = arith.constant 0 : i32
      %dma_wait3A_44 = tpu.memref_slice %arg6[%add3A_10, %dma_wait3A_43] : memref<10240x128xf32, #tpu.memory_space<vmem_shared>> -> memref<128x128xf32, #tpu.memory_space<vmem_shared>>
      tpu.wait_dma2 semaphore(%run_scoped3A : memref<!tpu.dma_semaphore, #tpu.memory_space<semaphore_mem>>) src(%arg9 : memref<128x128xf32, #tpu.memory_space<vmem>>) dst(%dma_wait3A_44 : memref<128x128xf32, #tpu.memory_space<vmem_shared>>)
      tpu.yield
    }) : () -> ()
    %mul3A_11 = arith.constant 640 : i32
    %mul3A_12 = arith.muli %arg1, %mul3A_11 : i32
    %add3A_13 = arith.constant 128 : i32
    %add3A_14 = arith.addi %mul3A_12, %add3A_13 : i32
    "tpu.region"() ({
      %run_scoped3A = tpu.sem_alloc : memref<!tpu.dma_semaphore, #tpu.memory_space<semaphore_mem>>
      %dma_start3A = arith.constant 0 : i32
      %dma_start3A_39 = tpu.memref_slice %arg6[%add3A_14, %dma_start3A] : memref<10240x128xf32, #tpu.memory_space<vmem_shared>> -> memref<128x128xf32, #tpu.memory_space<vmem_shared>>
      %dma_start3A_40 = arith.constant 0 : i32
      %dma_start3A_41 = tpu.memref_slice %arg6[%add3A_14, %dma_start3A_40] : memref<10240x128xf32, #tpu.memory_space<vmem_shared>> -> memref<128x128xf32, #tpu.memory_space<vmem_shared>>
      tpu.enqueue_dma source(%arg9 : memref<128x128xf32, #tpu.memory_space<vmem>>) target(%dma_start3A_41 : memref<128x128xf32, #tpu.memory_space<vmem_shared>>) target_semaphore(%run_scoped3A : memref<!tpu.dma_semaphore, #tpu.memory_space<semaphore_mem>>)
      %dma_wait3A = arith.constant 0 : i32
      %dma_wait3A_42 = tpu.memref_slice %arg6[%add3A_14, %dma_wait3A] : memref<10240x128xf32, #tpu.memory_space<vmem_shared>> -> memref<128x128xf32, #tpu.memory_space<vmem_shared>>
      %dma_wait3A_43 = arith.constant 0 : i32
      %dma_wait3A_44 = tpu.memref_slice %arg6[%add3A_14, %dma_wait3A_43] : memref<10240x128xf32, #tpu.memory_space<vmem_shared>> -> memref<128x128xf32, #tpu.memory_space<vmem_shared>>
      tpu.wait_dma2 semaphore(%run_scoped3A : memref<!tpu.dma_semaphore, #tpu.memory_space<semaphore_mem>>) src(%arg9 : memref<128x128xf32, #tpu.memory_space<vmem>>) dst(%dma_wait3A_44 : memref<128x128xf32, #tpu.memory_space<vmem_shared>>)
      tpu.yield
    }) : () -> ()
    %mul3A_15 = arith.constant 640 : i32
    %mul3A_16 = arith.muli %arg1, %mul3A_15 : i32
    %add3A_17 = arith.constant 256 : i32
    %add3A_18 = arith.addi %mul3A_16, %add3A_17 : i32
    "tpu.region"() ({
      %run_scoped3A = tpu.sem_alloc : memref<!tpu.dma_semaphore, #tpu.memory_space<semaphore_mem>>
      %dma_start3A = arith.constant 0 : i32
      %dma_start3A_39 = tpu.memref_slice %arg6[%add3A_18, %dma_start3A] : memref<10240x128xf32, #tpu.memory_space<vmem_shared>> -> memref<128x128xf32, #tpu.memory_space<vmem_shared>>
      %dma_start3A_40 = arith.constant 0 : i32
      %dma_start3A_41 = tpu.memref_slice %arg6[%add3A_18, %dma_start3A_40] : memref<10240x128xf32, #tpu.memory_space<vmem_shared>> -> memref<128x128xf32, #tpu.memory_space<vmem_shared>>
      tpu.enqueue_dma source(%arg9 : memref<128x128xf32, #tpu.memory_space<vmem>>) target(%dma_start3A_41 : memref<128x128xf32, #tpu.memory_space<vmem_shared>>) target_semaphore(%run_scoped3A : memref<!tpu.dma_semaphore, #tpu.memory_space<semaphore_mem>>)
      %dma_wait3A = arith.constant 0 : i32
      %dma_wait3A_42 = tpu.memref_slice %arg6[%add3A_18, %dma_wait3A] : memref<10240x128xf32, #tpu.memory_space<vmem_shared>> -> memref<128x128xf32, #tpu.memory_space<vmem_shared>>
      %dma_wait3A_43 = arith.constant 0 : i32
      %dma_wait3A_44 = tpu.memref_slice %arg6[%add3A_18, %dma_wait3A_43] : memref<10240x128xf32, #tpu.memory_space<vmem_shared>> -> memref<128x128xf32, #tpu.memory_space<vmem_shared>>
      tpu.wait_dma2 semaphore(%run_scoped3A : memref<!tpu.dma_semaphore, #tpu.memory_space<semaphore_mem>>) src(%arg9 : memref<128x128xf32, #tpu.memory_space<vmem>>) dst(%dma_wait3A_44 : memref<128x128xf32, #tpu.memory_space<vmem_shared>>)
      tpu.yield
    }) : () -> ()
    %mul3A_19 = arith.constant 640 : i32
    %mul3A_20 = arith.muli %arg1, %mul3A_19 : i32
    %add3A_21 = arith.constant 384 : i32
    %add3A_22 = arith.addi %mul3A_20, %add3A_21 : i32
    "tpu.region"() ({
      %run_scoped3A = tpu.sem_alloc : memref<!tpu.dma_semaphore, #tpu.memory_space<semaphore_mem>>
      %dma_start3A = arith.constant 0 : i32
      %dma_start3A_39 = tpu.memref_slice %arg6[%add3A_22, %dma_start3A] : memref<10240x128xf32, #tpu.memory_space<vmem_shared>> -> memref<128x128xf32, #tpu.memory_space<vmem_shared>>
      %dma_start3A_40 = arith.constant 0 : i32
      %dma_start3A_41 = tpu.memref_slice %arg6[%add3A_22, %dma_start3A_40] : memref<10240x128xf32, #tpu.memory_space<vmem_shared>> -> memref<128x128xf32, #tpu.memory_space<vmem_shared>>
      tpu.enqueue_dma source(%arg9 : memref<128x128xf32, #tpu.memory_space<vmem>>) target(%dma_start3A_41 : memref<128x128xf32, #tpu.memory_space<vmem_shared>>) target_semaphore(%run_scoped3A : memref<!tpu.dma_semaphore, #tpu.memory_space<semaphore_mem>>)
      %dma_wait3A = arith.constant 0 : i32
      %dma_wait3A_42 = tpu.memref_slice %arg6[%add3A_22, %dma_wait3A] : memref<10240x128xf32, #tpu.memory_space<vmem_shared>> -> memref<128x128xf32, #tpu.memory_space<vmem_shared>>
      %dma_wait3A_43 = arith.constant 0 : i32
      %dma_wait3A_44 = tpu.memref_slice %arg6[%add3A_22, %dma_wait3A_43] : memref<10240x128xf32, #tpu.memory_space<vmem_shared>> -> memref<128x128xf32, #tpu.memory_space<vmem_shared>>
      tpu.wait_dma2 semaphore(%run_scoped3A : memref<!tpu.dma_semaphore, #tpu.memory_space<semaphore_mem>>) src(%arg9 : memref<128x128xf32, #tpu.memory_space<vmem>>) dst(%dma_wait3A_44 : memref<128x128xf32, #tpu.memory_space<vmem_shared>>)
      tpu.yield
    }) : () -> ()
    %mul3A_23 = arith.constant 640 : i32
    %mul3A_24 = arith.muli %arg1, %mul3A_23 : i32
    %add3A_25 = arith.constant 512 : i32
    %add3A_26 = arith.addi %mul3A_24, %add3A_25 : i32
    "tpu.region"() ({
      %run_scoped3A = tpu.sem_alloc : memref<!tpu.dma_semaphore, #tpu.memory_space<semaphore_mem>>
      %dma_start3A = arith.constant 0 : i32
      %dma_start3A_39 = tpu.memref_slice %arg6[%add3A_26, %dma_start3A] : memref<10240x128xf32, #tpu.memory_space<vmem_shared>> -> memref<128x128xf32, #tpu.memory_space<vmem_shared>>
      %dma_start3A_40 = arith.constant 0 : i32
      %dma_start3A_41 = tpu.memref_slice %arg6[%add3A_26, %dma_start3A_40] : memref<10240x128xf32, #tpu.memory_space<vmem_shared>> -> memref<128x128xf32, #tpu.memory_space<vmem_shared>>
      tpu.enqueue_dma source(%arg9 : memref<128x128xf32, #tpu.memory_space<vmem>>) target(%dma_start3A_41 : memref<128x128xf32, #tpu.memory_space<vmem_shared>>) target_semaphore(%run_scoped3A : memref<!tpu.dma_semaphore, #tpu.memory_space<semaphore_mem>>)
      %dma_wait3A = arith.constant 0 : i32
      %dma_wait3A_42 = tpu.memref_slice %arg6[%add3A_26, %dma_wait3A] : memref<10240x128xf32, #tpu.memory_space<vmem_shared>> -> memref<128x128xf32, #tpu.memory_space<vmem_shared>>
      %dma_wait3A_43 = arith.constant 0 : i32
      %dma_wait3A_44 = tpu.memref_slice %arg6[%add3A_26, %dma_wait3A_43] : memref<10240x128xf32, #tpu.memory_space<vmem_shared>> -> memref<128x128xf32, #tpu.memory_space<vmem_shared>>
      tpu.wait_dma2 semaphore(%run_scoped3A : memref<!tpu.dma_semaphore, #tpu.memory_space<semaphore_mem>>) src(%arg9 : memref<128x128xf32, #tpu.memory_space<vmem>>) dst(%dma_wait3A_44 : memref<128x128xf32, #tpu.memory_space<vmem_shared>>)
      tpu.yield
    }) : () -> ()
    "tpu.region"() ({
      %run_scoped3A = tpu.sem_alloc : memref<!tpu.dma_semaphore, #tpu.memory_space<semaphore_mem>>
      %dma_start3A = arith.constant 0 : i32
      %dma_start3A_39 = arith.constant 0 : i32
      %dma_start3A_40 = tpu.memref_slice %arg3[%add3A, %dma_start3A, %dma_start3A_39] : memref<32x79x128xi32, #tpu.memory_space<hbm>> -> memref<1x79x128xi32, #tpu.memory_space<hbm>>
      %dma_start3A_41 = tpu.memref_squeeze %dma_start3A_40 : memref<1x79x128xi32, #tpu.memory_space<hbm>> -> memref<79x128xi32, #tpu.memory_space<hbm>>
      %dma_start3A_42 = arith.constant 0 : i32
      %dma_start3A_43 = arith.constant 0 : i32
      %dma_start3A_44 = tpu.memref_slice %arg3[%add3A, %dma_start3A_42, %dma_start3A_43] : memref<32x79x128xi32, #tpu.memory_space<hbm>> -> memref<1x79x128xi32, #tpu.memory_space<hbm>>
      %dma_start3A_45 = tpu.memref_squeeze %dma_start3A_44 : memref<1x79x128xi32, #tpu.memory_space<hbm>> -> memref<79x128xi32, #tpu.memory_space<hbm>>
      tpu.enqueue_dma source(%dma_start3A_45 : memref<79x128xi32, #tpu.memory_space<hbm>>) target(%arg7 : memref<79x128xi32, #tpu.memory_space<vmem>>) target_semaphore(%run_scoped3A : memref<!tpu.dma_semaphore, #tpu.memory_space<semaphore_mem>>)
      %dma_wait3A = arith.constant 0 : i32
      %dma_wait3A_46 = arith.constant 0 : i32
      %dma_wait3A_47 = tpu.memref_slice %arg3[%add3A, %dma_wait3A, %dma_wait3A_46] : memref<32x79x128xi32, #tpu.memory_space<hbm>> -> memref<1x79x128xi32, #tpu.memory_space<hbm>>
      %dma_wait3A_48 = tpu.memref_squeeze %dma_wait3A_47 : memref<1x79x128xi32, #tpu.memory_space<hbm>> -> memref<79x128xi32, #tpu.memory_space<hbm>>
      %dma_wait3A_49 = arith.constant 0 : i32
      %dma_wait3A_50 = arith.constant 0 : i32
      %dma_wait3A_51 = tpu.memref_slice %arg3[%add3A, %dma_wait3A_49, %dma_wait3A_50] : memref<32x79x128xi32, #tpu.memory_space<hbm>> -> memref<1x79x128xi32, #tpu.memory_space<hbm>>
      %dma_wait3A_52 = tpu.memref_squeeze %dma_wait3A_51 : memref<1x79x128xi32, #tpu.memory_space<hbm>> -> memref<79x128xi32, #tpu.memory_space<hbm>>
      tpu.wait_dma2 semaphore(%run_scoped3A : memref<!tpu.dma_semaphore, #tpu.memory_space<semaphore_mem>>) src(%dma_wait3A_52 : memref<79x128xi32, #tpu.memory_space<hbm>>) dst(%arg7 : memref<79x128xi32, #tpu.memory_space<vmem>>)
      tpu.yield
    }) : () -> ()
    "tpu.region"() ({
      %run_scoped3A = tpu.sem_alloc : memref<!tpu.dma_semaphore, #tpu.memory_space<semaphore_mem>>
      %dma_start3A = arith.constant 0 : i32
      %dma_start3A_39 = arith.constant 0 : i32
      %dma_start3A_40 = tpu.memref_slice %arg4[%add3A, %dma_start3A, %dma_start3A_39] : memref<32x79x128xi32, #tpu.memory_space<hbm>> -> memref<1x79x128xi32, #tpu.memory_space<hbm>>
      %dma_start3A_41 = tpu.memref_squeeze %dma_start3A_40 : memref<1x79x128xi32, #tpu.memory_space<hbm>> -> memref<79x128xi32, #tpu.memory_space<hbm>>
      %dma_start3A_42 = arith.constant 0 : i32
      %dma_start3A_43 = arith.constant 0 : i32
      %dma_start3A_44 = tpu.memref_slice %arg4[%add3A, %dma_start3A_42, %dma_start3A_43] : memref<32x79x128xi32, #tpu.memory_space<hbm>> -> memref<1x79x128xi32, #tpu.memory_space<hbm>>
      %dma_start3A_45 = tpu.memref_squeeze %dma_start3A_44 : memref<1x79x128xi32, #tpu.memory_space<hbm>> -> memref<79x128xi32, #tpu.memory_space<hbm>>
      tpu.enqueue_dma source(%dma_start3A_45 : memref<79x128xi32, #tpu.memory_space<hbm>>) target(%arg8 : memref<79x128xi32, #tpu.memory_space<vmem>>) target_semaphore(%run_scoped3A : memref<!tpu.dma_semaphore, #tpu.memory_space<semaphore_mem>>)
      %dma_wait3A = arith.constant 0 : i32
      %dma_wait3A_46 = arith.constant 0 : i32
      %dma_wait3A_47 = tpu.memref_slice %arg4[%add3A, %dma_wait3A, %dma_wait3A_46] : memref<32x79x128xi32, #tpu.memory_space<hbm>> -> memref<1x79x128xi32, #tpu.memory_space<hbm>>
      %dma_wait3A_48 = tpu.memref_squeeze %dma_wait3A_47 : memref<1x79x128xi32, #tpu.memory_space<hbm>> -> memref<79x128xi32, #tpu.memory_space<hbm>>
      %dma_wait3A_49 = arith.constant 0 : i32
      %dma_wait3A_50 = arith.constant 0 : i32
      %dma_wait3A_51 = tpu.memref_slice %arg4[%add3A, %dma_wait3A_49, %dma_wait3A_50] : memref<32x79x128xi32, #tpu.memory_space<hbm>> -> memref<1x79x128xi32, #tpu.memory_space<hbm>>
      %dma_wait3A_52 = tpu.memref_squeeze %dma_wait3A_51 : memref<1x79x128xi32, #tpu.memory_space<hbm>> -> memref<79x128xi32, #tpu.memory_space<hbm>>
      tpu.wait_dma2 semaphore(%run_scoped3A : memref<!tpu.dma_semaphore, #tpu.memory_space<semaphore_mem>>) src(%dma_wait3A_52 : memref<79x128xi32, #tpu.memory_space<hbm>>) dst(%arg8 : memref<79x128xi32, #tpu.memory_space<vmem>>)
      tpu.yield
    }) : () -> ()
    %barrier3A = arith.constant 0 : index
    tpu.barrier barrier_id(%barrier3A)
    %scan3A_27 = arith.constant 0 : i32
    %scan3A_28 = arith.constant 0 : i32
    %scan3A_29 = arith.constant 79 : i32
    %scan3A_30 = arith.addi %scan3A_28, %scan3A_29 : i32
    %scan3A_31 = arith.constant 1 : i32
    %scan3A_32 = scf.for %scan3A_39 = %scan3A_28 to %scan3A_30 step %scan3A_31 iter_args(%scan3A_40 = %scan3A_27) -> (i32)  : i32 {
      %dma_start3A = arith.constant 0 : i32
      %dma_start3A_41 = tpu.memref_slice %arg7[%scan3A_39, %dma_start3A] : memref<79x128xi32, #tpu.memory_space<vmem>> -> memref<1x128xi32, #tpu.memory_space<vmem>>
      %dma_start3A_42 = tpu.memref_squeeze %dma_start3A_41 : memref<1x128xi32, #tpu.memory_space<vmem>> -> memref<128xi32, #tpu.memory_space<vmem>>
      %dma_start3A_43 = arith.constant 0 : i32
      %dma_start3A_44 = arith.constant 0 : i32
      %dma_start3A_45 = tpu.memref_slice %arg2[%dma_start3A_43, %dma_start3A_44] : memref<10240x128xf32, #tpu.memory_space<hbm>> -> memref<10240x128xf32, #tpu.memory_space<hbm>>
      tpu.enqueue_indirect_dma source(%dma_start3A_45 : memref<10240x128xf32, #tpu.memory_space<hbm>>) target(%arg9 : memref<128x128xf32, #tpu.memory_space<vmem>>) offsets(%dma_start3A_42 : memref<128xi32, #tpu.memory_space<vmem>>) semaphore(%arg10 : memref<!tpu.dma_semaphore, #tpu.memory_space<semaphore_mem>>)
      %dma_wait3A = arith.constant 0 : i32
      %dma_wait3A_46 = tpu.memref_slice %arg7[%scan3A_39, %dma_wait3A] : memref<79x128xi32, #tpu.memory_space<vmem>> -> memref<1x128xi32, #tpu.memory_space<vmem>>
      %dma_wait3A_47 = tpu.memref_squeeze %dma_wait3A_46 : memref<1x128xi32, #tpu.memory_space<vmem>> -> memref<128xi32, #tpu.memory_space<vmem>>
      %dma_wait3A_48 = arith.constant 0 : i32
      %dma_wait3A_49 = arith.constant 0 : i32
      %dma_wait3A_50 = tpu.memref_slice %arg2[%dma_wait3A_48, %dma_wait3A_49] : memref<10240x128xf32, #tpu.memory_space<hbm>> -> memref<10240x128xf32, #tpu.memory_space<hbm>>
      tpu.wait_indirect_dma semaphore(%arg10 : memref<!tpu.dma_semaphore, #tpu.memory_space<semaphore_mem>>) src(%dma_wait3A_50 : memref<10240x128xf32, #tpu.memory_space<hbm>>) dst(%arg9 : memref<128x128xf32, #tpu.memory_space<vmem>>)
      "tpu.region"() ({
        %run_scoped3A = tpu.sem_alloc : memref<!tpu.dma_semaphore, #tpu.memory_space<semaphore_mem>>
        %dma_start3A_52 = arith.constant 0 : i32
        %dma_start3A_53 = tpu.memref_slice %arg8[%scan3A_39, %dma_start3A_52] : memref<79x128xi32, #tpu.memory_space<vmem>> -> memref<1x128xi32, #tpu.memory_space<vmem>>
        %dma_start3A_54 = tpu.memref_squeeze %dma_start3A_53 : memref<1x128xi32, #tpu.memory_space<vmem>> -> memref<128xi32, #tpu.memory_space<vmem>>
        %dma_start3A_55 = arith.constant 0 : i32
        %dma_start3A_56 = arith.constant 0 : i32
        %dma_start3A_57 = tpu.memref_slice %arg6[%dma_start3A_55, %dma_start3A_56] : memref<10240x128xf32, #tpu.memory_space<vmem_shared>> -> memref<10240x128xf32, #tpu.memory_space<vmem_shared>>
        tpu.enqueue_indirect_dma source(%arg9 : memref<128x128xf32, #tpu.memory_space<vmem>>) target(%dma_start3A_57 : memref<10240x128xf32, #tpu.memory_space<vmem_shared>>) offsets(%dma_start3A_54 : memref<128xi32, #tpu.memory_space<vmem>>) semaphore(%run_scoped3A : memref<!tpu.dma_semaphore, #tpu.memory_space<semaphore_mem>>) {add = true}
        %dma_wait3A_58 = arith.constant 0 : i32
        %dma_wait3A_59 = tpu.memref_slice %arg8[%scan3A_39, %dma_wait3A_58] : memref<79x128xi32, #tpu.memory_space<vmem>> -> memref<1x128xi32, #tpu.memory_space<vmem>>
        %dma_wait3A_60 = tpu.memref_squeeze %dma_wait3A_59 : memref<1x128xi32, #tpu.memory_space<vmem>> -> memref<128xi32, #tpu.memory_space<vmem>>
        %dma_wait3A_61 = arith.constant 0 : i32
        %dma_wait3A_62 = arith.constant 0 : i32
        %dma_wait3A_63 = tpu.memref_slice %arg6[%dma_wait3A_61, %dma_wait3A_62] : memref<10240x128xf32, #tpu.memory_space<vmem_shared>> -> memref<10240x128xf32, #tpu.memory_space<vmem_shared>>
        tpu.wait_indirect_dma semaphore(%run_scoped3A : memref<!tpu.dma_semaphore, #tpu.memory_space<semaphore_mem>>) src(%arg9 : memref<128x128xf32, #tpu.memory_space<vmem>>) dst(%dma_wait3A_63 : memref<10240x128xf32, #tpu.memory_space<vmem_shared>>)
        tpu.yield
      }) : () -> ()
      %scan3A_51 = arith.constant 0 : i32
      scf.yield %scan3A_51 : i32
    }
    %scan3A_33 = arith.constant 79 : i32
    %barrier3A_34 = arith.constant 0 : index
    tpu.barrier barrier_id(%barrier3A_34)
    %mul3A_35 = arith.constant 640 : i32
    %mul3A_36 = arith.muli %arg1, %mul3A_35 : i32
    %mul3A_37 = arith.constant 640 : i32
    %mul3A_38 = arith.muli %arg1, %mul3A_37 : i32
    "tpu.region"() ({
      %run_scoped3A = tpu.sem_alloc : memref<!tpu.dma_semaphore, #tpu.memory_space<semaphore_mem>>
      %dma_start3A = arith.constant 0 : i32
      %dma_start3A_39 = tpu.memref_slice %arg5[%arg0, %mul3A_38, %dma_start3A] : memref<2x10240x128xf32, #tpu.memory_space<hbm>> -> memref<1x640x128xf32, #tpu.memory_space<hbm>>
      %dma_start3A_40 = tpu.memref_squeeze %dma_start3A_39 : memref<1x640x128xf32, #tpu.memory_space<hbm>> -> memref<640x128xf32, #tpu.memory_space<hbm>>
      %dma_start3A_41 = arith.constant 0 : i32
      %dma_start3A_42 = tpu.memref_slice %arg6[%mul3A_36, %dma_start3A_41] : memref<10240x128xf32, #tpu.memory_space<vmem_shared>> -> memref<640x128xf32, #tpu.memory_space<vmem_shared>>
      tpu.enqueue_dma source(%dma_start3A_42 : memref<640x128xf32, #tpu.memory_space<vmem_shared>>) target(%dma_start3A_40 : memref<640x128xf32, #tpu.memory_space<hbm>>) target_semaphore(%run_scoped3A : memref<!tpu.dma_semaphore, #tpu.memory_space<semaphore_mem>>)
      %dma_wait3A = arith.constant 0 : i32
      %dma_wait3A_43 = tpu.memref_slice %arg5[%arg0, %mul3A_38, %dma_wait3A] : memref<2x10240x128xf32, #tpu.memory_space<hbm>> -> memref<1x640x128xf32, #tpu.memory_space<hbm>>
      %dma_wait3A_44 = tpu.memref_squeeze %dma_wait3A_43 : memref<1x640x128xf32, #tpu.memory_space<hbm>> -> memref<640x128xf32, #tpu.memory_space<hbm>>
      %dma_wait3A_45 = arith.constant 0 : i32
      %dma_wait3A_46 = tpu.memref_slice %arg6[%mul3A_36, %dma_wait3A_45] : memref<10240x128xf32, #tpu.memory_space<vmem_shared>> -> memref<640x128xf32, #tpu.memory_space<vmem_shared>>
      tpu.wait_dma2 semaphore(%run_scoped3A : memref<!tpu.dma_semaphore, #tpu.memory_space<semaphore_mem>>) src(%dma_wait3A_46 : memref<640x128xf32, #tpu.memory_space<vmem_shared>>) dst(%dma_wait3A_44 : memref<640x128xf32, #tpu.memory_space<hbm>>)
      tpu.yield
    }) : () -> ()
    return
  }
}

#map = affine_map<(d0, d1) -> (0, 0, 0)>
#map1 = affine_map<(d0, d1) -> (0, 0)>
module attributes {stable_mosaic.version = 14 : i64} {
  func.func @_deg_body(%arg0: i32, %arg1: i32, %arg2: memref<32x79x128xi32, #tpu.memory_space<hbm>>, %arg3: memref<2x10240xf32, #tpu.memory_space<hbm>>, %arg4: memref<10240xf32, #tpu.memory_space<vmem_shared>>, %arg5: memref<79x128xi32, #tpu.memory_space<vmem>>, %arg6: memref<128xf32, #tpu.memory_space<vmem>>, %arg7: memref<640xf32, #tpu.memory_space<vmem>>) attributes {dimension_semantics = [#tpu.dimension_semantics<core_parallel>, #tpu.dimension_semantics<subcore_parallel>], iteration_bounds = array<i64: 2, 16>, scalar_prefetch = 0 : i64, scratch_operands = 4 : i64, tpu.core_type = #tpu.core_type<sc_vector_subcore>, window_params = [{transform_indices = #map}, {transform_indices = #map1}]} {
    %mul3A = arith.constant 16 : i32
    %mul3A_0 = arith.muli %arg0, %mul3A : i32
    %add3A = arith.addi %mul3A_0, %arg1 : i32
    %scan3A = arith.constant 0 : i32
    %scan3A_1 = arith.constant 0 : i32
    %scan3A_2 = arith.constant 8 : i32
    %scan3A_3 = arith.addi %scan3A_1, %scan3A_2 : i32
    %scan3A_4 = arith.constant 1 : i32
    %scan3A_5 = scf.for %scan3A_28 = %scan3A_1 to %scan3A_3 step %scan3A_4 iter_args(%scan3A_29 = %scan3A) -> (i32)  : i32 {
      %broadcast_in_dim3A = arith.constant 1.000000e+00 : f32
      %broadcast_in_dim3A_30 = vector.broadcast %broadcast_in_dim3A : f32 to vector<16xf32>
      %mul3A_31 = arith.constant 16 : i32
      %mul3A_32 = arith.muli %scan3A_28, %mul3A_31 : i32
      %swap3A = arith.index_cast %mul3A_32 : i32 to index
      %swap3A_33 = tpu.vector_load %arg6[%swap3A] {strides = array<i32>} : memref<128xf32, #tpu.memory_space<vmem>>, vector<16xf32>,
      %swap3A_34 = vector.shape_cast %swap3A_33 : vector<16xf32> to vector<16xf32>
      %swap3A_35 = vector.shape_cast %broadcast_in_dim3A_30 : vector<16xf32> to vector<16xf32>
      tpu.vector_store %arg6[%swap3A], %swap3A_35 {strides = array<i32>} : memref<128xf32, #tpu.memory_space<vmem>>, vector<16xf32>,
      %scan3A_36 = arith.constant 0 : i32
      scf.yield %scan3A_36 : i32
    }
    %scan3A_6 = arith.constant 8 : i32
    %scan3A_7 = arith.constant 0 : i32
    %scan3A_8 = arith.constant 0 : i32
    %scan3A_9 = arith.constant 40 : i32
    %scan3A_10 = arith.addi %scan3A_8, %scan3A_9 : i32
    %scan3A_11 = arith.constant 1 : i32
    %scan3A_12 = scf.for %scan3A_28 = %scan3A_8 to %scan3A_10 step %scan3A_11 iter_args(%scan3A_29 = %scan3A_7) -> (i32)  : i32 {
      %broadcast_in_dim3A = arith.constant 0.000000e+00 : f32
      %broadcast_in_dim3A_30 = vector.broadcast %broadcast_in_dim3A : f32 to vector<16xf32>
      %mul3A_31 = arith.constant 16 : i32
      %mul3A_32 = arith.muli %scan3A_28, %mul3A_31 : i32
      %swap3A = arith.index_cast %mul3A_32 : i32 to index
      %swap3A_33 = tpu.vector_load %arg7[%swap3A] {strides = array<i32>} : memref<640xf32, #tpu.memory_space<vmem>>, vector<16xf32>,
      %swap3A_34 = vector.shape_cast %swap3A_33 : vector<16xf32> to vector<16xf32>
      %swap3A_35 = vector.shape_cast %broadcast_in_dim3A_30 : vector<16xf32> to vector<16xf32>
      tpu.vector_store %arg7[%swap3A], %swap3A_35 {strides = array<i32>} : memref<640xf32, #tpu.memory_space<vmem>>, vector<16xf32>,
      %scan3A_36 = arith.constant 0 : i32
      scf.yield %scan3A_36 : i32
    }
    %scan3A_13 = arith.constant 40 : i32
    %mul3A_14 = arith.constant 640 : i32
    %mul3A_15 = arith.muli %arg1, %mul3A_14 : i32
    "tpu.region"() ({
      %run_scoped3A = tpu.sem_alloc : memref<!tpu.dma_semaphore, #tpu.memory_space<semaphore_mem>>
      %dma_start3A = tpu.memref_slice %arg4[%mul3A_15] : memref<10240xf32, #tpu.memory_space<vmem_shared>> -> memref<640xf32, #tpu.memory_space<vmem_shared>>
      %dma_start3A_28 = tpu.memref_slice %arg4[%mul3A_15] : memref<10240xf32, #tpu.memory_space<vmem_shared>> -> memref<640xf32, #tpu.memory_space<vmem_shared>>
      tpu.enqueue_dma source(%arg7 : memref<640xf32, #tpu.memory_space<vmem>>) target(%dma_start3A_28 : memref<640xf32, #tpu.memory_space<vmem_shared>>) target_semaphore(%run_scoped3A : memref<!tpu.dma_semaphore, #tpu.memory_space<semaphore_mem>>)
      %dma_wait3A = tpu.memref_slice %arg4[%mul3A_15] : memref<10240xf32, #tpu.memory_space<vmem_shared>> -> memref<640xf32, #tpu.memory_space<vmem_shared>>
      %dma_wait3A_29 = tpu.memref_slice %arg4[%mul3A_15] : memref<10240xf32, #tpu.memory_space<vmem_shared>> -> memref<640xf32, #tpu.memory_space<vmem_shared>>
      tpu.wait_dma2 semaphore(%run_scoped3A : memref<!tpu.dma_semaphore, #tpu.memory_space<semaphore_mem>>) src(%arg7 : memref<640xf32, #tpu.memory_space<vmem>>) dst(%dma_wait3A_29 : memref<640xf32, #tpu.memory_space<vmem_shared>>)
      tpu.yield
    }) : () -> ()
    "tpu.region"() ({
      %run_scoped3A = tpu.sem_alloc : memref<!tpu.dma_semaphore, #tpu.memory_space<semaphore_mem>>
      %dma_start3A = arith.constant 0 : i32
      %dma_start3A_28 = arith.constant 0 : i32
      %dma_start3A_29 = tpu.memref_slice %arg2[%add3A, %dma_start3A, %dma_start3A_28] : memref<32x79x128xi32, #tpu.memory_space<hbm>> -> memref<1x79x128xi32, #tpu.memory_space<hbm>>
      %dma_start3A_30 = tpu.memref_squeeze %dma_start3A_29 : memref<1x79x128xi32, #tpu.memory_space<hbm>> -> memref<79x128xi32, #tpu.memory_space<hbm>>
      %dma_start3A_31 = arith.constant 0 : i32
      %dma_start3A_32 = arith.constant 0 : i32
      %dma_start3A_33 = tpu.memref_slice %arg2[%add3A, %dma_start3A_31, %dma_start3A_32] : memref<32x79x128xi32, #tpu.memory_space<hbm>> -> memref<1x79x128xi32, #tpu.memory_space<hbm>>
      %dma_start3A_34 = tpu.memref_squeeze %dma_start3A_33 : memref<1x79x128xi32, #tpu.memory_space<hbm>> -> memref<79x128xi32, #tpu.memory_space<hbm>>
      tpu.enqueue_dma source(%dma_start3A_34 : memref<79x128xi32, #tpu.memory_space<hbm>>) target(%arg5 : memref<79x128xi32, #tpu.memory_space<vmem>>) target_semaphore(%run_scoped3A : memref<!tpu.dma_semaphore, #tpu.memory_space<semaphore_mem>>)
      %dma_wait3A = arith.constant 0 : i32
      %dma_wait3A_35 = arith.constant 0 : i32
      %dma_wait3A_36 = tpu.memref_slice %arg2[%add3A, %dma_wait3A, %dma_wait3A_35] : memref<32x79x128xi32, #tpu.memory_space<hbm>> -> memref<1x79x128xi32, #tpu.memory_space<hbm>>
      %dma_wait3A_37 = tpu.memref_squeeze %dma_wait3A_36 : memref<1x79x128xi32, #tpu.memory_space<hbm>> -> memref<79x128xi32, #tpu.memory_space<hbm>>
      %dma_wait3A_38 = arith.constant 0 : i32
      %dma_wait3A_39 = arith.constant 0 : i32
      %dma_wait3A_40 = tpu.memref_slice %arg2[%add3A, %dma_wait3A_38, %dma_wait3A_39] : memref<32x79x128xi32, #tpu.memory_space<hbm>> -> memref<1x79x128xi32, #tpu.memory_space<hbm>>
      %dma_wait3A_41 = tpu.memref_squeeze %dma_wait3A_40 : memref<1x79x128xi32, #tpu.memory_space<hbm>> -> memref<79x128xi32, #tpu.memory_space<hbm>>
      tpu.wait_dma2 semaphore(%run_scoped3A : memref<!tpu.dma_semaphore, #tpu.memory_space<semaphore_mem>>) src(%dma_wait3A_41 : memref<79x128xi32, #tpu.memory_space<hbm>>) dst(%arg5 : memref<79x128xi32, #tpu.memory_space<vmem>>)
      tpu.yield
    }) : () -> ()
    %barrier3A = arith.constant 0 : index
    tpu.barrier barrier_id(%barrier3A)
    %scan3A_16 = arith.constant 0 : i32
    %scan3A_17 = arith.constant 0 : i32
    %scan3A_18 = arith.constant 79 : i32
    %scan3A_19 = arith.addi %scan3A_17, %scan3A_18 : i32
    %scan3A_20 = arith.constant 1 : i32
    %scan3A_21 = scf.for %scan3A_28 = %scan3A_17 to %scan3A_19 step %scan3A_20 iter_args(%scan3A_29 = %scan3A_16) -> (i32)  : i32 {
      "tpu.region"() ({
        %run_scoped3A = tpu.sem_alloc : memref<!tpu.dma_semaphore, #tpu.memory_space<semaphore_mem>>
        %dma_start3A = arith.constant 0 : i32
        %dma_start3A_31 = tpu.memref_slice %arg5[%scan3A_28, %dma_start3A] : memref<79x128xi32, #tpu.memory_space<vmem>> -> memref<1x128xi32, #tpu.memory_space<vmem>>
        %dma_start3A_32 = tpu.memref_squeeze %dma_start3A_31 : memref<1x128xi32, #tpu.memory_space<vmem>> -> memref<128xi32, #tpu.memory_space<vmem>>
        %dma_start3A_33 = arith.constant 0 : i32
        %dma_start3A_34 = tpu.memref_slice %arg4[%dma_start3A_33] : memref<10240xf32, #tpu.memory_space<vmem_shared>> -> memref<10240xf32, #tpu.memory_space<vmem_shared>>
        tpu.enqueue_indirect_dma source(%arg6 : memref<128xf32, #tpu.memory_space<vmem>>) target(%dma_start3A_34 : memref<10240xf32, #tpu.memory_space<vmem_shared>>) offsets(%dma_start3A_32 : memref<128xi32, #tpu.memory_space<vmem>>) semaphore(%run_scoped3A : memref<!tpu.dma_semaphore, #tpu.memory_space<semaphore_mem>>) {add = true}
        %dma_wait3A = arith.constant 0 : i32
        %dma_wait3A_35 = tpu.memref_slice %arg5[%scan3A_28, %dma_wait3A] : memref<79x128xi32, #tpu.memory_space<vmem>> -> memref<1x128xi32, #tpu.memory_space<vmem>>
        %dma_wait3A_36 = tpu.memref_squeeze %dma_wait3A_35 : memref<1x128xi32, #tpu.memory_space<vmem>> -> memref<128xi32, #tpu.memory_space<vmem>>
        %dma_wait3A_37 = arith.constant 0 : i32
        %dma_wait3A_38 = tpu.memref_slice %arg4[%dma_wait3A_37] : memref<10240xf32, #tpu.memory_space<vmem_shared>> -> memref<10240xf32, #tpu.memory_space<vmem_shared>>
        tpu.wait_indirect_dma semaphore(%run_scoped3A : memref<!tpu.dma_semaphore, #tpu.memory_space<semaphore_mem>>) src(%arg6 : memref<128xf32, #tpu.memory_space<vmem>>) dst(%dma_wait3A_38 : memref<10240xf32, #tpu.memory_space<vmem_shared>>)
        tpu.yield
      }) : () -> ()
      %scan3A_30 = arith.constant 0 : i32
      scf.yield %scan3A_30 : i32
    }
    %scan3A_22 = arith.constant 79 : i32
    %barrier3A_23 = arith.constant 0 : index
    tpu.barrier barrier_id(%barrier3A_23)
    %mul3A_24 = arith.constant 640 : i32
    %mul3A_25 = arith.muli %arg1, %mul3A_24 : i32
    %mul3A_26 = arith.constant 640 : i32
    %mul3A_27 = arith.muli %arg1, %mul3A_26 : i32
    "tpu.region"() ({
      %run_scoped3A = tpu.sem_alloc : memref<!tpu.dma_semaphore, #tpu.memory_space<semaphore_mem>>
      %dma_start3A = tpu.memref_slice %arg3[%arg0, %mul3A_27] : memref<2x10240xf32, #tpu.memory_space<hbm>> -> memref<1x640xf32, #tpu.memory_space<hbm>>
      %dma_start3A_28 = tpu.memref_squeeze %dma_start3A : memref<1x640xf32, #tpu.memory_space<hbm>> -> memref<640xf32, #tpu.memory_space<hbm>>
      %dma_start3A_29 = tpu.memref_slice %arg4[%mul3A_25] : memref<10240xf32, #tpu.memory_space<vmem_shared>> -> memref<640xf32, #tpu.memory_space<vmem_shared>>
      tpu.enqueue_dma source(%dma_start3A_29 : memref<640xf32, #tpu.memory_space<vmem_shared>>) target(%dma_start3A_28 : memref<640xf32, #tpu.memory_space<hbm>>) target_semaphore(%run_scoped3A : memref<!tpu.dma_semaphore, #tpu.memory_space<semaphore_mem>>)
      %dma_wait3A = tpu.memref_slice %arg3[%arg0, %mul3A_27] : memref<2x10240xf32, #tpu.memory_space<hbm>> -> memref<1x640xf32, #tpu.memory_space<hbm>>
      %dma_wait3A_30 = tpu.memref_squeeze %dma_wait3A : memref<1x640xf32, #tpu.memory_space<hbm>> -> memref<640xf32, #tpu.memory_space<hbm>>
      %dma_wait3A_31 = tpu.memref_slice %arg4[%mul3A_25] : memref<10240xf32, #tpu.memory_space<vmem_shared>> -> memref<640xf32, #tpu.memory_space<vmem_shared>>
      tpu.wait_dma2 semaphore(%run_scoped3A : memref<!tpu.dma_semaphore, #tpu.memory_space<semaphore_mem>>) src(%dma_wait3A_31 : memref<640xf32, #tpu.memory_space<vmem_shared>>) dst(%dma_wait3A_30 : memref<640xf32, #tpu.memory_space<hbm>>)
      tpu.yield
    }) : () -> ()
    return
  }
}

module attributes {stable_mosaic.version = 14 : i64} {
  func.func @_l1_body(%arg0: i32, %arg1: memref<1000x2xf32, #tpu.memory_space<vmem>>, %arg2: memref<1000x128xf32, #tpu.memory_space<vmem>>, %arg3: memref<128x128xf32, #tpu.memory_space<vmem>>, %arg4: memref<1000x128xf32, #tpu.memory_space<vmem>>) attributes {dimension_semantics = [#tpu.dimension_semantics<arbitrary>], iteration_bounds = array<i64: 10>, scalar_prefetch = 0 : i64, scratch_operands = 0 : i64, tpu.core_type = #tpu.core_type<tc>, window_params = [{transform_indices = @transform_0, window_bounds = array<i64: 1000, 2>}, {transform_indices = @transform_1, window_bounds = array<i64: 1000, 128>}, {pipeline_mode = #tpu.pipeline_mode<synchronous>, transform_indices = @transform_2, window_bounds = array<i64: 128, 128>}, {transform_indices = @transform_3, window_bounds = array<i64: 1000, 128>}]} {
    %get3A = arith.constant 0 : index
    %get3A_0 = arith.constant 0 : index
    %get3A_1 = vector.load %arg1[%get3A, %get3A_0] : memref<1000x2xf32, #tpu.memory_space<vmem>>, vector<1000x1xf32>
    %get3A_2 = arith.constant 0 : index
    %get3A_3 = arith.constant 1 : index
    %get3A_4 = vector.load %arg1[%get3A_2, %get3A_3] : memref<1000x2xf32, #tpu.memory_space<vmem>>, vector<1000x1xf32>
    %add3A = arith.addf %get3A_1, %get3A_4 : vector<1000x1xf32>
    %add3A_5 = arith.constant 1.000000e+00 : f32
    %add3A_6 = vector.broadcast %add3A_5 : f32 to vector<1000x1xf32>
    %add3A_7 = arith.addf %add3A, %add3A_6 : vector<1000x1xf32>
    %rsqrt3A = math.rsqrt %add3A_7 : vector<1000x1xf32>
    %get3A_8 = arith.constant 0 : index
    %get3A_9 = arith.constant 0 : index
    %get3A_10 = vector.load %arg2[%get3A_8, %get3A_9] : memref<1000x128xf32, #tpu.memory_space<vmem>>, vector<1000x128xf32>
    %get3A_11 = arith.constant 0 : index
    %get3A_12 = arith.constant 0 : index
    %get3A_13 = vector.load %arg3[%get3A_11, %get3A_12] : memref<128x128xf32, #tpu.memory_space<vmem>>, vector<128x128xf32>
    %dot_general3A = arith.constant dense<0.000000e+00> : vector<1000x128xf32>
    %dot_general3A_14 = tpu.matmul %get3A_10, %get3A_13, %dot_general3A {dimension_numbers = #tpu.dot_dimension_numbers<[1], [0], [0], [1], [0, 0, 1, 1], [], []>, transpose_lhs_hint = false} : vector<1000x128xf32>, vector<128x128xf32>, vector<1000x128xf32> -> vector<1000x128xf32>
    %mul3A = vector.broadcast %rsqrt3A : vector<1000x1xf32> to vector<1000x128xf32>
    %mul3A_15 = arith.mulf %dot_general3A_14, %mul3A : vector<1000x128xf32>
    %swap3A = arith.constant 0 : index
    %swap3A_16 = arith.constant 0 : index
    %swap3A_17 = vector.load %arg4[%swap3A, %swap3A_16] : memref<1000x128xf32, #tpu.memory_space<vmem>>, vector<1000x128xf32>
    tpu.vector_store %arg4[%swap3A, %swap3A_16], %mul3A_15 {strides = array<i32>} : memref<1000x128xf32, #tpu.memory_space<vmem>>, vector<1000x128xf32>,
    return
  }
  func.func @transform_0(%arg0: i32) -> (i32, i32) {
    %c0_i32 = arith.constant 0 : i32
    %c0_i32_0 = arith.constant 0 : i32
    return %arg0, %c0_i32 : i32, i32
  }
  func.func @transform_1(%arg0: i32) -> (i32, i32) {
    %c0_i32 = arith.constant 0 : i32
    %c0_i32_0 = arith.constant 0 : i32
    return %arg0, %c0_i32 : i32, i32
  }
  func.func @transform_2(%arg0: i32) -> (i32, i32) {
    %c0_i32 = arith.constant 0 : i32
    %c0_i32_0 = arith.constant 0 : i32
    %c0_i32_1 = arith.constant 0 : i32
    return %c0_i32, %c0_i32_0 : i32, i32
  }
  func.func @transform_3(%arg0: i32) -> (i32, i32) {
    %c0_i32 = arith.constant 0 : i32
    %c0_i32_0 = arith.constant 0 : i32
    return %arg0, %c0_i32 : i32, i32
  }
}

module attributes {stable_mosaic.version = 14 : i64} {
  func.func @_l2_body(%arg0: i32, %arg1: memref<1000x2xf32, #tpu.memory_space<vmem>>, %arg2: memref<1000x128xf32, #tpu.memory_space<vmem>>, %arg3: memref<1000x128xf32, #tpu.memory_space<vmem>>, %arg4: memref<1000x128xf32, #tpu.memory_space<vmem>>, %arg5: memref<1x128xf32, #tpu.memory_space<vmem>>, %arg6: memref<128x128xf32, #tpu.memory_space<vmem>>, %arg7: memref<1000x128xf32, #tpu.memory_space<vmem>>) attributes {dimension_semantics = [#tpu.dimension_semantics<arbitrary>], iteration_bounds = array<i64: 10>, scalar_prefetch = 0 : i64, scratch_operands = 0 : i64, tpu.core_type = #tpu.core_type<tc>, window_params = [{transform_indices = @transform_0, window_bounds = array<i64: 1000, 2>}, {transform_indices = @transform_1, window_bounds = array<i64: 1000, 128>}, {transform_indices = @transform_2, window_bounds = array<i64: 1000, 128>}, {transform_indices = @transform_3, window_bounds = array<i64: 1000, 128>}, {pipeline_mode = #tpu.pipeline_mode<synchronous>, transform_indices = @transform_4, window_bounds = array<i64: 1, 128>}, {pipeline_mode = #tpu.pipeline_mode<synchronous>, transform_indices = @transform_5, window_bounds = array<i64: 128, 128>}, {transform_indices = @transform_6, window_bounds = array<i64: 1000, 128>}]} {
    %get3A = arith.constant 0 : index
    %get3A_0 = arith.constant 0 : index
    %get3A_1 = vector.load %arg1[%get3A, %get3A_0] : memref<1000x2xf32, #tpu.memory_space<vmem>>, vector<1000x1xf32>
    %get3A_2 = arith.constant 0 : index
    %get3A_3 = arith.constant 1 : index
    %get3A_4 = vector.load %arg1[%get3A_2, %get3A_3] : memref<1000x2xf32, #tpu.memory_space<vmem>>, vector<1000x1xf32>
    %add3A = arith.addf %get3A_1, %get3A_4 : vector<1000x1xf32>
    %add3A_5 = arith.constant 1.000000e+00 : f32
    %add3A_6 = vector.broadcast %add3A_5 : f32 to vector<1000x1xf32>
    %add3A_7 = arith.addf %add3A, %add3A_6 : vector<1000x1xf32>
    %rsqrt3A = math.rsqrt %add3A_7 : vector<1000x1xf32>
    %get3A_8 = arith.constant 0 : index
    %get3A_9 = arith.constant 0 : index
    %get3A_10 = vector.load %arg2[%get3A_8, %get3A_9] : memref<1000x128xf32, #tpu.memory_space<vmem>>, vector<1000x128xf32>
    %get3A_11 = arith.constant 0 : index
    %get3A_12 = arith.constant 0 : index
    %get3A_13 = vector.load %arg3[%get3A_11, %get3A_12] : memref<1000x128xf32, #tpu.memory_space<vmem>>, vector<1000x128xf32>
    %add3A_14 = arith.addf %get3A_10, %get3A_13 : vector<1000x128xf32>
    %get3A_15 = arith.constant 0 : index
    %get3A_16 = arith.constant 0 : index
    %get3A_17 = vector.load %arg4[%get3A_15, %get3A_16] : memref<1000x128xf32, #tpu.memory_space<vmem>>, vector<1000x128xf32>
    %add3A_18 = arith.addf %add3A_14, %get3A_17 : vector<1000x128xf32>
    %mul3A = vector.broadcast %rsqrt3A : vector<1000x1xf32> to vector<1000x128xf32>
    %mul3A_19 = arith.mulf %add3A_18, %mul3A : vector<1000x128xf32>
    %get3A_20 = arith.constant 0 : index
    %get3A_21 = arith.constant 0 : index
    %get3A_22 = vector.load %arg5[%get3A_20, %get3A_21] : memref<1x128xf32, #tpu.memory_space<vmem>>, vector<1x128xf32>
    %add3A_23 = vector.broadcast %get3A_22 : vector<1x128xf32> to vector<1000x128xf32>
    %add3A_24 = arith.addf %mul3A_19, %add3A_23 : vector<1000x128xf32>
    %max3A = arith.constant 0.000000e+00 : f32
    %max3A_25 = vector.broadcast %max3A : f32 to vector<1000x128xf32>
    %max3A_26 = arith.maximumf %add3A_24, %max3A_25 : vector<1000x128xf32>
    %get3A_27 = arith.constant 0 : index
    %get3A_28 = arith.constant 0 : index
    %get3A_29 = vector.load %arg6[%get3A_27, %get3A_28] : memref<128x128xf32, #tpu.memory_space<vmem>>, vector<128x128xf32>
    %dot_general3A = arith.constant dense<0.000000e+00> : vector<1000x128xf32>
    %dot_general3A_30 = tpu.matmul %max3A_26, %get3A_29, %dot_general3A {dimension_numbers = #tpu.dot_dimension_numbers<[1], [0], [0], [1], [0, 0, 1, 1], [], []>, transpose_lhs_hint = false} : vector<1000x128xf32>, vector<128x128xf32>, vector<1000x128xf32> -> vector<1000x128xf32>
    %mul3A_31 = vector.broadcast %rsqrt3A : vector<1000x1xf32> to vector<1000x128xf32>
    %mul3A_32 = arith.mulf %dot_general3A_30, %mul3A_31 : vector<1000x128xf32>
    %swap3A = arith.constant 0 : index
    %swap3A_33 = arith.constant 0 : index
    %swap3A_34 = vector.load %arg7[%swap3A, %swap3A_33] : memref<1000x128xf32, #tpu.memory_space<vmem>>, vector<1000x128xf32>
    tpu.vector_store %arg7[%swap3A, %swap3A_33], %mul3A_32 {strides = array<i32>} : memref<1000x128xf32, #tpu.memory_space<vmem>>, vector<1000x128xf32>,
    return
  }
  func.func @transform_0(%arg0: i32) -> (i32, i32) {
    %c0_i32 = arith.constant 0 : i32
    %c0_i32_0 = arith.constant 0 : i32
    return %arg0, %c0_i32 : i32, i32
  }
  func.func @transform_1(%arg0: i32) -> (i32, i32) {
    %c0_i32 = arith.constant 0 : i32
    %c0_i32_0 = arith.constant 0 : i32
    return %arg0, %c0_i32 : i32, i32
  }
  func.func @transform_2(%arg0: i32) -> (i32, i32) {
    %c0_i32 = arith.constant 0 : i32
    %c0_i32_0 = arith.constant 0 : i32
    return %arg0, %c0_i32 : i32, i32
  }
  func.func @transform_3(%arg0: i32) -> (i32, i32) {
    %c0_i32 = arith.constant 0 : i32
    %c0_i32_0 = arith.constant 0 : i32
    return %arg0, %c0_i32 : i32, i32
  }
  func.func @transform_4(%arg0: i32) -> (i32, i32) {
    %c0_i32 = arith.constant 0 : i32
    %c0_i32_0 = arith.constant 0 : i32
    %c0_i32_1 = arith.constant 0 : i32
    return %c0_i32, %c0_i32_0 : i32, i32
  }
  func.func @transform_5(%arg0: i32) -> (i32, i32) {
    %c0_i32 = arith.constant 0 : i32
    %c0_i32_0 = arith.constant 0 : i32
    %c0_i32_1 = arith.constant 0 : i32
    return %c0_i32, %c0_i32_0 : i32, i32
  }
  func.func @transform_6(%arg0: i32) -> (i32, i32) {
    %c0_i32 = arith.constant 0 : i32
    %c0_i32_0 = arith.constant 0 : i32
    return %arg0, %c0_i32 : i32, i32
  }
}

module attributes {stable_mosaic.version = 14 : i64} {
  func.func @_out_body(%arg0: i32, %arg1: memref<1000x2xf32, #tpu.memory_space<vmem>>, %arg2: memref<1000x128xf32, #tpu.memory_space<vmem>>, %arg3: memref<1000x128xf32, #tpu.memory_space<vmem>>, %arg4: memref<1000x128xf32, #tpu.memory_space<vmem>>, %arg5: memref<1x128xf32, #tpu.memory_space<vmem>>, %arg6: memref<1000x128xf32, #tpu.memory_space<vmem>>) attributes {dimension_semantics = [#tpu.dimension_semantics<arbitrary>], iteration_bounds = array<i64: 10>, scalar_prefetch = 0 : i64, scratch_operands = 0 : i64, tpu.core_type = #tpu.core_type<tc>, window_params = [{transform_indices = @transform_0, window_bounds = array<i64: 1000, 2>}, {transform_indices = @transform_1, window_bounds = array<i64: 1000, 128>}, {transform_indices = @transform_2, window_bounds = array<i64: 1000, 128>}, {transform_indices = @transform_3, window_bounds = array<i64: 1000, 128>}, {pipeline_mode = #tpu.pipeline_mode<synchronous>, transform_indices = @transform_4, window_bounds = array<i64: 1, 128>}, {transform_indices = @transform_5, window_bounds = array<i64: 1000, 128>}]} {
    %get3A = arith.constant 0 : index
    %get3A_0 = arith.constant 0 : index
    %get3A_1 = vector.load %arg1[%get3A, %get3A_0] : memref<1000x2xf32, #tpu.memory_space<vmem>>, vector<1000x1xf32>
    %get3A_2 = arith.constant 0 : index
    %get3A_3 = arith.constant 1 : index
    %get3A_4 = vector.load %arg1[%get3A_2, %get3A_3] : memref<1000x2xf32, #tpu.memory_space<vmem>>, vector<1000x1xf32>
    %add3A = arith.addf %get3A_1, %get3A_4 : vector<1000x1xf32>
    %add3A_5 = arith.constant 1.000000e+00 : f32
    %add3A_6 = vector.broadcast %add3A_5 : f32 to vector<1000x1xf32>
    %add3A_7 = arith.addf %add3A, %add3A_6 : vector<1000x1xf32>
    %rsqrt3A = math.rsqrt %add3A_7 : vector<1000x1xf32>
    %get3A_8 = arith.constant 0 : index
    %get3A_9 = arith.constant 0 : index
    %get3A_10 = vector.load %arg2[%get3A_8, %get3A_9] : memref<1000x128xf32, #tpu.memory_space<vmem>>, vector<1000x128xf32>
    %get3A_11 = arith.constant 0 : index
    %get3A_12 = arith.constant 0 : index
    %get3A_13 = vector.load %arg3[%get3A_11, %get3A_12] : memref<1000x128xf32, #tpu.memory_space<vmem>>, vector<1000x128xf32>
    %add3A_14 = arith.addf %get3A_10, %get3A_13 : vector<1000x128xf32>
    %get3A_15 = arith.constant 0 : index
    %get3A_16 = arith.constant 0 : index
    %get3A_17 = vector.load %arg4[%get3A_15, %get3A_16] : memref<1000x128xf32, #tpu.memory_space<vmem>>, vector<1000x128xf32>
    %add3A_18 = arith.addf %add3A_14, %get3A_17 : vector<1000x128xf32>
    %mul3A = vector.broadcast %rsqrt3A : vector<1000x1xf32> to vector<1000x128xf32>
    %mul3A_19 = arith.mulf %add3A_18, %mul3A : vector<1000x128xf32>
    %get3A_20 = arith.constant 0 : index
    %get3A_21 = arith.constant 0 : index
    %get3A_22 = vector.load %arg5[%get3A_20, %get3A_21] : memref<1x128xf32, #tpu.memory_space<vmem>>, vector<1x128xf32>
    %add3A_23 = vector.broadcast %get3A_22 : vector<1x128xf32> to vector<1000x128xf32>
    %add3A_24 = arith.addf %mul3A_19, %add3A_23 : vector<1000x128xf32>
    %swap3A = arith.constant 0 : index
    %swap3A_25 = arith.constant 0 : index
    %swap3A_26 = vector.load %arg6[%swap3A, %swap3A_25] : memref<1000x128xf32, #tpu.memory_space<vmem>>, vector<1000x128xf32>
    tpu.vector_store %arg6[%swap3A, %swap3A_25], %add3A_24 {strides = array<i32>} : memref<1000x128xf32, #tpu.memory_space<vmem>>, vector<1000x128xf32>,
    return
  }
  func.func @transform_0(%arg0: i32) -> (i32, i32) {
    %c0_i32 = arith.constant 0 : i32
    %c0_i32_0 = arith.constant 0 : i32
    return %arg0, %c0_i32 : i32, i32
  }
  func.func @transform_1(%arg0: i32) -> (i32, i32) {
    %c0_i32 = arith.constant 0 : i32
    %c0_i32_0 = arith.constant 0 : i32
    return %arg0, %c0_i32 : i32, i32
  }
  func.func @transform_2(%arg0: i32) -> (i32, i32) {
    %c0_i32 = arith.constant 0 : i32
    %c0_i32_0 = arith.constant 0 : i32
    return %arg0, %c0_i32 : i32, i32
  }
  func.func @transform_3(%arg0: i32) -> (i32, i32) {
    %c0_i32 = arith.constant 0 : i32
    %c0_i32_0 = arith.constant 0 : i32
    return %arg0, %c0_i32 : i32, i32
  }
  func.func @transform_4(%arg0: i32) -> (i32, i32) {
    %c0_i32 = arith.constant 0 : i32
    %c0_i32_0 = arith.constant 0 : i32
    %c0_i32_1 = arith.constant 0 : i32
    return %c0_i32, %c0_i32_0 : i32, i32
  }
  func.func @transform_5(%arg0: i32) -> (i32, i32) {
    %c0_i32 = arith.constant 0 : i32
    %c0_i32_0 = arith.constant 0 : i32
    return %arg0, %c0_i32 : i32, i32
  }
}

</mosaic_0001>

<sc_bundles>
// kernel: kernel.11.cloned.1.call-start
scs
__scs_entry_jumppad:
0x0: {  	(pc) =	sbr.rel $0x88, $3  }
0x1: {  	(tag) =	ssettag $0x0;
	lr =	simm.s32 $0x1  }
0x2: {  	[smem:$0x3F9B] =	sst lr;
	_ =	strace $0xD0000000  }
0x3: {  	_ = 	snop  }
0x4: {  	_ = 	snop  }
0x5: {  	_ = 	snop  }
0x6: {  	_ = 	snop  }
0x7: {  	_ = 	snop  }
__scs_overlays_trampoline_lowered:
0x8: {  	[smem:$0x3FAA] =	sst s0  }
0x9: {  	[smem:$0x3FAB] =	sst s1  }
0xa: {  	[smem:$0x3FAC] =	sst s2  }
0xb: {  	[smem:$0x3FAD] =	sst s3  }
0xc: {  	[smem:$0x3FAE] =	sst s4  }
0xd: {  	[smem:$0x3FAF] =	sst s5  }
0xe: {  	[smem:$0x3FB0] =	sst s6  }
0xf: {  	[smem:$0x3FB1] =	sst s7  }
0x10: {  	[smem:$0x3FB2] =	sst s8  }
0x11: {  	[smem:$0x3FB3] =	sst s9;
	s0 =	simm.s32 @!p0 $0x0  }
0x12: {  	s1 =	sld [smem:$0x3F99];
	s0 =	simm.s32 @p0 $0x1  }
0x13: {  	[smem:$0x3FB4] =	sst s0;
	s0 =	simm.s32 @!p1 $0x0  }
0x14: {  	s2 =	sld [smem:$0x3F98];
	s0 =	simm.s32 @p1 $0x1  }
0x15: {  	[smem:$0x3FB5] =	sst s0;
	s0 =	simm.s32 @!p2 $0x0  }
0x16: {  	s3 =	sld [smem:$0x3FDB];
	s0 =	simm.s32 @p2 $0x1  }
0x17: {  	s4 =	simm.s32 $0x1BF5;
	[smem:$0x3FB7] =	sst s0  }
0x18: {  	s0 =	sld [smem:$0x3F9A];
	_ =	swait.ge [sflag:s4], $0x0  }
0x19: {  	s7 =	sld [smem:$0x3F9B]  }
0x1a: {  	s8 =	sadd.s32 $0xFFFFE003, lr  }
0x1b: {  	s9 =	sadd.s32 $0xFFFFFEF7, lr;
	s5 =	simm.s32 $0xFFFFFFFF;
	p2 =	slt.u32 s8, $0xFFFFF086  }
0x1c: {  	p1 =	slt.u32 s9, $0xF7A;
	s5 =	simm.s32 @!p2 $0x0  }
0x1d: {  	s5 =	simm.s32 @p1 $0x1;
	p0 =	seq.s32 s7, s2  }
0x1e: {  	s7 =	smul.u32 @!p0 $0xF7A, s2;
	p2 =	seq.s32 @!p0 s5, $0x0  }
0x1f: {  	s9 =	smul.u32 $0xF7A, s1;
	s8 =	simm.s32 @!p0 $0x1BF5;
	p2 =	por !p2, p0  }
0x20: {  	[sflag:s8] =	ssyncset.s32 @!p0 $0xFFFFF086;
	s6 =	sadd.s32 @!p0 s3, s7;
	s7 =	simm.s32 @!p0 $0x108  }
0x21: {  	s3 =	sadd.s32 s3, s9;
	s6 =	sadd.s32 @!p0 $0x88, s6;
	s7 =	simm.s32 @p2 $0x1082  }
0x22: {  	[simem:s7], [sflag:s8] =	dma.local @!p0 [hbm:s6], $0xF7A  }
0x23: {  	s9 =	sor.u32 $0xD0000000, s2;
	s6 =	simm.s32 $0x108;
	_ =	swait.ge @!p0 [sflag:s8], $0x0  }
0x24: {  	s3 =	sadd.s32 $0x88, s3;
	s6 =	simm.s32 @!p1 $0x1082;
	[sflag:s4] =	ssyncset.s32 $0xFFFFF086  }
0x25: {  	[simem:s6], [sflag:s4] =	dma.local [hbm:s3], $0xF7A  }
0x26: {  	[smem:$0x3F9B] =	sst s1;
	(tag) =	ssettag s2;
	_ =	strace s9  }
0x27: {  	s1 =	sld [smem:$0x3FAB]  }
0x28: {  	s2 =	sld [smem:$0x3FAC]  }
0x29: {  	s4 =	sld [smem:$0x3FAE]  }
0x2a: {  	p0 =	seq.s32 s5, $0x0;
	s5 =	sld [smem:$0x3FAF]  }
0x2b: {  	s6 =	sld [smem:$0x3FB0]  }
0x2c: {  	s7 =	sld [smem:$0x3FB1]  }
0x2d: {  	s3 =	simm.s32 $0x108;
	s8 =	sld [smem:$0x3FB2]  }
0x2e: {  	s3 =	simm.s32 @!p0 $0x1082;
	s9 =	sld [smem:$0x3FB3]  }
0x2f: {  	lr =	sadd.s32 s0, s3;
	s0 =	sld [smem:$0x3FAA]  }
0x30: {  	s3 =	sld [smem:$0x3FAD]  }
0x31: {  	[smem:$0x3FB6] =	sst s10  }
0x32: {  	s10 =	sld [smem:$0x3FB4];
	_ =	sdelay $0x3  }
0x33: {  	p0 =	seq.s32 s10, $0x1;
	s10 =	sld [smem:$0x3FB6];
	_ =	sdelay $0x3  }
0x34: {  	[smem:$0x3FB6] =	sst s10  }
0x35: {  	s10 =	sld [smem:$0x3FB5];
	_ =	sdelay $0x3  }
0x36: {  	p1 =	seq.s32 s10, $0x1;
	s10 =	sld [smem:$0x3FB6];
	_ =	sdelay $0x3  }
0x37: {  	[smem:$0x3FB6] =	sst s10  }
0x38: {  	s10 =	sld [smem:$0x3FB7]  }
0x39: {  	_ = 	snop;
	(pc) =	sbr.ind lr, $3  }
0x3a: {  	_ = 	snop  }
0x3b: {  	_ = 	snop  }
0x3c: {  	p2 =	seq.s32 s10, $0x1;
	s10 =	sld [smem:$0x3FB6]  }
0x3d: {  	_ =	shalt  }
0x3e: {  	_ =	shalt  }
0x3f: {  	_ =	shalt  }
0x40: {  	_ =	shalt  }
0x41: {  	_ =	shalt  }
0x42: {  	_ =	shalt  }
0x43: {  	_ =	shalt  }
0x44: {  	_ =	shalt  }
0x45: {  	_ =	shalt  }
0x46: {  	_ =	shalt  }
0x47: {  	_ =	shalt  }
0x48: {  	_ =	shalt  }
0x49: {  	_ =	shalt  }
0x4a: {  	_ =	shalt  }
0x4b: {  	_ =	shalt  }
0x4c: {  	_ =	shalt  }
0x4d: {  	_ =	shalt  }
0x4e: {  	_ =	shalt  }
0x4f: {  	_ =	shalt  }
0x50: {  	_ =	shalt  }
0x51: {  	_ =	shalt  }
0x52: {  	_ =	shalt  }
0x53: {  	_ =	shalt  }
0x54: {  	_ =	shalt  }
0x55: {  	_ =	shalt  }
0x56: {  	_ =	shalt  }
0x57: {  	_ =	shalt  }
0x58: {  	_ =	shalt  }
0x59: {  	_ =	shalt  }
0x5a: {  	_ =	shalt  }
0x5b: {  	_ =	shalt  }
0x5c: {  	_ =	shalt  }
0x5d: {  	_ =	shalt  }
0x5e: {  	_ =	shalt  }
0x5f: {  	_ =	shalt  }
0x60: {  	_ =	shalt  }
0x61: {  	_ =	shalt  }
0x62: {  	_ =	shalt  }
0x63: {  	_ =	shalt  }
0x64: {  	_ =	shalt  }
0x65: {  	_ =	shalt  }
0x66: {  	_ =	shalt  }
0x67: {  	_ =	shalt  }
0x68: {  	_ =	shalt  }
0x69: {  	_ =	shalt  }
0x6a: {  	_ =	shalt  }
0x6b: {  	_ =	shalt  }
0x6c: {  	_ =	shalt  }
0x6d: {  	_ =	shalt  }
0x6e: {  	_ =	shalt  }
0x6f: {  	_ =	shalt  }
0x70: {  	_ =	shalt  }
0x71: {  	_ =	shalt  }
0x72: {  	_ =	shalt  }
0x73: {  	_ =	shalt  }
0x74: {  	_ =	shalt  }
0x75: {  	_ =	shalt  }
0x76: {  	_ =	shalt  }
0x77: {  	_ =	shalt  }
0x78: {  	_ =	shalt  }
0x79: {  	_ =	shalt  }
0x7a: {  	_ =	shalt  }
0x7b: {  	_ =	shalt  }
0x7c: {  	_ =	shalt  }
0x7d: {  	_ =	shalt  }
0x7e: {  	_ =	shalt  }
0x7f: {  	_ =	shalt  }
0x80: {  	_ =	shalt  }
0x81: {  	_ =	shalt  }
0x82: {  	_ =	shalt  }
0x83: {  	_ =	shalt  }
0x84: {  	_ =	shalt  }
0x85: {  	_ =	shalt  }
0x86: {  	_ =	shalt  }
0x87: {  	_ =	shalt  }
.Lfunc_end0:
.L_simem_size_0:
called_computation.1_lowered:
.L_overlay_start_0:
0x88: {  	s2 =	sld [smem:$0x3FD9]  }
0x89: {  	s3 =	sld [smem:$0x3FFE];
	_ =	sdelay $0x1  }
0x8a: {  	s1 =	srdreg.scid  }
0x8b: {  	s0 =	sand.u32 $0x1, s1  }
0x8c: {  	s17 =	sshll.u32 s0, $0xA;
	s2 =	sadd.s32 s3, s2  }
0x8d: {  	s2 =	sadd.s32 s2, s17  }
0x8e: {  	[smem:$0x3FC2] =	sst s2  }
0x8f: {  	_ = 	snop  }
0x90: {  	s2 =	sld [smem:$0x3FD0];
	(tm) =	ssettm $0x1  }
0x91: {  	s18 =	sld [smem:$0x3FFB];
	_ =	sdelay $0x3  }
0x92: {  	_ =	strace s18  }
0x93: {  	s3 =	sld [smem:$0x3FFC];
	_ =	sdelay $0x3  }
0x94: {  	_ =	strace s3  }
0x95: {  	s3 =	sld [smem:$0x3FFD];
	_ =	sdelay $0x3  }
0x96: {  	_ =	strace s3  }
0x97: {  	_ =	strace $0x8FFFFFFF  }
0x98: {  	s19 =	sld [smem:$0x3FDB];
	_ =	sdelay $0x1  }
0x99: {  	s4 =	simm.s32 $_scs_section_size  }
0x9a: {  	s5 =	simm.s32 $_size__tile_overlayer_lowered;
	s6 =	simm.s32 $_tile_overlayer_lowered  }
0x9b: {  	s22 =	simm.s32 $0x1BFF;
	s21 =	sshll.u32 s6, $0x1;
	s3 =	sadd.s32 s4, s19  }
0x9c: {  	s7 =	simm.s32 $0x0;
	s20 =	sshll.u32 s5, $0x1;
	s5 =	sadd.s32 s21, s3  }
0x9d: {  	[timem:s7], [sflag:s22] =	dma.local [hbm:s5], s20  }
0x9e: {  	_ =	swait.ge [sflag:s22], s20  }
0x9f: {  	s4 =	ssub.s32 $0x0, s20;
	[sflag:s22] =	ssyncset.done $0x0  }
0xa0: {  	[sflag:s22] =	ssyncadd.s32 s4;
	_ =	sdelay $0x1  }
0xa1: {  	s23 =	simm.s32 $0x1B8B  }
0xa2: {  	_ =	swait.ge [sflag:s23], $0x1  }
0xa3: {  	[sflag:s23] =	ssyncset.done $0x0  }
0xa4: {  	s25 =	simm.s32 $0x1B8E;
	s24 =	sld [smem:$0x3FFE];
	[sflag:s23] =	ssyncadd.s32 $0xFFFFFFFF  }
0xa5: {  	s26 =	simm.s32 $execute0_lowered;
	[smem:$0x3FD2] =	sst s25  }
0xa6: {  	s5 =	sshll.u32 s26, $0x1;
	_ =	strace $0x80000049;
	[dreg:$0x1] =	wrdreg $0xFFFFFFFF  }
0xa7: {  	s28 =	simm.s32 $_size_execute0_lowered;
	s3 =	sadd.s32 s3, s5;
	[dreg:$0x0] =	wrdreg $0x0  }
0xa8: {  	s5 =	sshll.u32 s28, $0x1;
	[dreg:$0x2] =	wrdreg s3  }
0xa9: {  	[dreg:$0x3] =	wrdreg s5  }
0xaa: {  	[dreg:$0x4] =	wrdreg $0xC0  }
0xab: {  	_ =	task [dreg:s7], $0x5FFFF  }
0xac: {  	[dreg:$0x1] =	wrdreg $0xFFFFFFFF  }
0xad: {  	[dreg:$0x0] =	wrdreg $0x60  }
0xae: {  	[dreg:$0x2] =	wrdreg s24  }
0xaf: {  	[dreg:$0x3] =	wrdreg s2  }
0xb0: {  	[dreg:$0x4] =	wrdreg $0x0  }
0xb1: {  	[dreg:$0x5] =	wrdreg $0x9  }
0xb2: {  	_ =	task.clear_ibuf [dreg:s7], $0x6FFFF;
	_ =	strace $0x90000049  }
0xb3: {  	s29 =	simm.s32 $0x9;
	_ =	strace $0x8000004B  }
0xb4: {  	_ =	swait.ge [sflag:s29], $0x1  }
0xb5: {  	[sflag:s29] =	ssyncadd.s32 $0xFFFFFFFF  }
0xb6: {  	_ =	strace $0x9000004B  }
0xb7: {  	_ =	sfence  }
0xb8: {  	s30 =	sld [smem:$0x0];
	_ =	sdelay $0x2  }
0xb9: {  	s31 =	sshll.u32 s1, $0xD;
	s1 =	sshrl.u32 s1, $0x2  }
0xba: {  	s3 =	sand.u32 $0x4000, s31;
	s1 =	sadd.s32 s1, s30  }
0xbb: {  	s0 =	sor.u32 s3, s0;
	s1 =	sshll.u32 s1, $0x11  }
0xbc: {  	s0 =	sor.u32 s1, s0  }
0xbd: {  	s0 =	sadd.s32 $0x8F2B, s0  }
0xbe: {  	[sflag:s0] =	ssyncadd.remote.s32 $0x1  }
0xbf: {  	_ =	sfence.sel $0xFFFF  }
0xc0: {  	[dreg:$0x0] =	wrdreg $0xFFFFFFFF;
	(pc) =	sbr.abs _section_cstart, $3  }
0xc1: {  	[dreg:$0x1] =	wrdreg $0xFFFFFFFF  }
0xc2: {  	_ =	task.clear_ibuf [dreg:s7], $0x2FFFF;
	_ =	strace $0x9FFFFFFF  }
0xc3: {  	(tm) =	ssettm $0x7FFFFFFF  }
tec
execute0_lowered:
.L_overlay_start_1:
0x0: {  	(tag) =	ssettag $0x1  }
0x1: {  	s6 =	rddreg [dreg:$0x0]  }
0x2: {  	s11 =	rddreg [dreg:$0x1]  }
0x3: {  	s0 =	srdreg.scid;
	s2 =	rddreg [dreg:$0x2]  }
0x4: {  	s3 =	simm.s32 $0x0;
	s15 =	simm.s32 $0x2;
	s16 =	simm.s32 $0x14000  }
0x5: {  	s17 =	simm.s32 $0x16800;
	s18 =	simm.s32 $0x80;
	s5 =	sand.u32 $0x1, s0  }
0x6: {  	s19 =	simm.s32 $0x1;
	s0 =	stileid.u32;
	s7 =	smul.u32 $0x140000, s5  }
0x7: {  	s21 =	simm.s32 $0x0;
	[smem:$0x7FF] =	sst s3;
	s8 =	smul.u32 $0x14000, s0  }
0x8: {  	s4 =	sadd.s32 $0xC800, s6;
	s1 =	sshll.u32 s5, $0x4;
	s9 =	smul.u32 $0x50000, s0  }
0x9: {  	s29 =	ssub.s32 $0x2, s5;
	s20 =	sshll.u32 s0, $0x6;
	s1 =	sor.u32 s0, s1  }
0xa: {  	s31 =	sshrl.u32 s29, $0x1;
	s20 =	sor.u32 $0x1C02, s20;
	s12 =	smul.u32 $0x500, s1  }
0xb: {  	s1 =	rddreg [dreg:$0x3];
	_ =	strace $0x8000004A;
	s7 =	sadd.s32 s8, s7  }
0xc: {  	s30 =	sshrl.u32 s9, $0x2;
	s14 =	ssub.s32 s29, s31;
	s7 =	sshrl.u32 s7, $0x3  }
0xd: {  	s5 =	sadd.s32 s30, s2;
	s10 =	sadd.s32 s12, s6;
	s13 =	sadd.s32 s7, s6  }
0xe: {  	s6 =	sadd.s32 $0x4000, s5;
	s7 =	sadd.s32 $0x8000, s5;
	s8 =	sadd.s32 $0xC000, s5  }
0xf: {  	s9 =	sadd.s32 $0x10000, s5;
	s11 =	sadd.s32 s11, s12;
	s10 =	sadd.s32 $0x2800, s10  }
0x10: {  	v0 =	vimm.f32 $0.0e+00;
	s12 =	sadd.s32 $0x34800, s13;
	s13 =	smax.u32 s14, $0x1;
	s14 =	simm.s32 $0x19000  }
.LBB2_1:
0x11: {  	s22 =	sand.u32 $0xFE00, s3  }
0x12: {  	s23 =	sand.u32 $0x70, s3;
	s24 =	sshrl.u32 s22, $0x2  }
0x13: {  	s22 =	simm.s32 $0x40;
	s24 =	sor.u32 s23, s24;
	s23 =	simm.s32 $0x0  }
.LBB2_2:
0x14: {  	p0 =	sne.s32 s22, $0xFFC0  }
0x15: {  	[tilespmem:s24+$0x19000] =	vst v0;
	s23 =	sadd.s32 $0x10, s23;
	s24 =	smov.u32 s22;
	s22 =	sadd.s32 $0x40, s22  }
.Ltmp0:
0x16: {  	(pc) =	sbr.rel @p0 .LBB2_2-.Ltmp0, $4  }
0x17: {  	_ = 	snop  }
0x18: {  	s24 =	sand.u32 $0xFE00, s24  }
0x19: {  	s25 =	sand.u32 $0x70, s23;
	s24 =	sshrl.u32 s24, $0x2  }
0x1a: {  	s24 =	sor.u32 s25, s24  }
0x1b: {  	[tilespmem:s24+$0x19000] =	vst v0  }
0x1c: {  	[spmem:s5] =	stream.linear.scatter [tilespmem:s14], [sflag:$0x2], $0x4000, $0x38;
	[tilespmem:$0x1D000] =	vst v63  }
0x1d: {  	_ =	swait.ge [sflag:s15], $0x4000  }
0x1e: {  	[sflag:s15] =	ssyncset.done $0x0  }
0x1f: {  	[sflag:s15] =	ssyncadd.s32 $0xFFFFC000  }
0x20: {  	[spmem:s6] =	stream.linear.scatter [tilespmem:s14], [sflag:$0x2], $0x4000, $0x38;
	[tilespmem:$0x1D000] =	vst v63  }
0x21: {  	_ =	swait.ge [sflag:s15], $0x4000  }
0x22: {  	[sflag:s15] =	ssyncset.done $0x0  }
0x23: {  	[sflag:s15] =	ssyncadd.s32 $0xFFFFC000  }
0x24: {  	[spmem:s7] =	stream.linear.scatter [tilespmem:s14], [sflag:$0x2], $0x4000, $0x38;
	[tilespmem:$0x1D000] =	vst v63  }
0x25: {  	_ =	swait.ge [sflag:s15], $0x4000  }
0x26: {  	[sflag:s15] =	ssyncset.done $0x0  }
0x27: {  	[sflag:s15] =	ssyncadd.s32 $0xFFFFC000  }
0x28: {  	[spmem:s8] =	stream.linear.scatter [tilespmem:s14], [sflag:$0x2], $0x4000, $0x38;
	[tilespmem:$0x1D000] =	vst v63  }
0x29: {  	_ =	swait.ge [sflag:s15], $0x4000  }
0x2a: {  	[sflag:s15] =	ssyncset.done $0x0  }
0x2b: {  	[sflag:s15] =	ssyncadd.s32 $0xFFFFC000  }
0x2c: {  	[spmem:s9] =	stream.linear.scatter [tilespmem:s14], [sflag:$0x2], $0x4000, $0x38;
	[tilespmem:$0x1D000] =	vst v63  }
0x2d: {  	_ =	swait.ge [sflag:s15], $0x4000  }
0x2e: {  	[sflag:s15] =	ssyncset.done $0x0  }
0x2f: {  	s22 =	simm.s32 $0x0;
	[sflag:s15] =	ssyncadd.s32 $0xFFFFC000  }
0x30: {  	[tilespmem:s16], [sflag:$0x2] =	stream.linear.gather [hbm4b:s10+s22], $0x2780, $0x38;
	[tilespmem:$0x1D000] =	vst v63  }
0x31: {  	_ =	swait.ge [sflag:s15], $0x2780  }
0x32: {  	[sflag:s15] =	ssyncset.done $0x0  }
0x33: {  	[sflag:s15] =	ssyncadd.s32 $0xFFFFD880  }
0x34: {  	[tilespmem:s17], [sflag:$0x2] =	stream.linear.gather [hbm4b:s11+s22], $0x2780, $0x38;
	[tilespmem:$0x1D000] =	vst v63  }
0x35: {  	_ =	swait.ge [sflag:s15], $0x2780  }
0x36: {  	[sflag:s15] =	ssyncset.done $0x0  }
0x37: {  	[sflag:s15] =	ssyncadd.s32 $0xFFFFD880  }
0x38: {  	s30 =	simm.s32 $0x14000;
	[bflag:$0x0] =	sbarrier.arrive $0xFFFF  }
0x39: {  	[tilespmem:s14], [sflag:$0x1] =	stream.indirect.gather [hbm4b:s4+s18], $0x80, s30, s18, $0xb8;
	[tilespmem:$0x1D000] =	vst v63  }
0x3a: {  	_ =	swait.ge [sflag:s19], $0x4000  }
0x3b: {  	[sflag:s19] =	ssyncset.done $0x0  }
0x3c: {  	s31 =	simm.s32 $0x16800;
	[sflag:s19] =	ssyncadd.s32 $0xFFFFC000  }
0x3d: {  	[spmem:s2] =	stream.indirect.scatter.add.f32 [tilespmem:s14], [sflag:$0x2], $0x80, s31, s18, $0xb8;
	[tilespmem:$0x1D000] =	vst v63  }
0x3e: {  	_ =	swait.ge [sflag:s15], $0x4000  }
0x3f: {  	s23 =	simm.s32 $0x400;
	s22 =	simm.s32 $0x80;
	[sflag:s15] =	ssyncset.done $0x0  }
.LBB2_4:
0x40: {  	s24 =	sadd.s32 $0x14000, s22  }
0x41: {  	[sflag:s15] =	ssyncadd.s32 $0xFFFFC000;
	s25 =	smov.u32 s23;
	s26 =	sadd.s32 $0x200, s23  }
0x42: {  	[tilespmem:s14], [sflag:$0x1] =	stream.indirect.gather [hbm4b:s4+s18], $0x80, s24, s18, $0xb8;
	[tilespmem:$0x1D000] =	vst v63  }
0x43: {  	p0 =	sne.s32 s23, $0x9C00;
	_ =	swait.ge [sflag:s19], $0x4000  }
.Ltmp1:
0x44: {  	[sflag:s19] =	ssyncset.done $0x0;
	(pc) =	sbr.rel @p0 .LBB2_4-.Ltmp1, $4  }
0x45: {  	s22 =	sadd.s32 $0x16800, s22;
	[sflag:s19] =	ssyncadd.s32 $0xFFFFC000  }
0x46: {  	[spmem:s2] =	stream.indirect.scatter.add.f32 [tilespmem:s14], [sflag:$0x2], $0x80, s22, s18, $0xb8;
	[tilespmem:$0x1D000] =	vst v63  }
0x47: {  	_ =	swait.ge [sflag:s15], $0x4000  }
0x48: {  	s23 =	smov.u32 s26;
	s22 =	sshra.s32 s25, $0x2;
	[sflag:s15] =	ssyncset.done $0x0  }
0x49: {  	s23 =	sadd.s32 $0x14000, s22;
	[sflag:s15] =	ssyncadd.s32 $0xFFFFC000  }
0x4a: {  	[tilespmem:s14], [sflag:$0x1] =	stream.indirect.gather [hbm4b:s4+s18], $0x80, s23, s18, $0xb8;
	[tilespmem:$0x1D000] =	vst v63  }
0x4b: {  	_ =	swait.ge [sflag:s19], $0x4000  }
0x4c: {  	[sflag:s19] =	ssyncset.done $0x0  }
0x4d: {  	s30 =	sadd.s32 $0x16800, s22;
	[sflag:s19] =	ssyncadd.s32 $0xFFFFC000  }
0x4e: {  	[spmem:s2] =	stream.indirect.scatter.add.f32 [tilespmem:s14], [sflag:$0x2], $0x80, s30, s18, $0xb8;
	[tilespmem:$0x1D000] =	vst v63  }
0x4f: {  	_ =	swait.ge [sflag:s15], $0x4000  }
0x50: {  	s21 =	sadd.s32 $0x1, s21;
	[sflag:s15] =	ssyncset.done $0x0  }
0x51: {  	p0 =	sne.s32 s21, s13;
	[sflag:s15] =	ssyncadd.s32 $0xFFFFC000  }
.Ltmp2:
0x52: {  	s31 =	sshrl.u32 s5, $0x3;
	[bflag:$0x0] =	sbarrier.arrive $0xFFFF;
	(pc) =	sbr.rel @p0 .LBB2_1-.Ltmp2, $4  }
0x53: {  	[hbm:s12], [sflag:s20] =	dma.local [spmem:s31], $0x2800  }
0x54: {  	_ =	swait.ge [sflag:s15], $0x2800  }
0x55: {  	[sflag:s15] =	ssyncset.done $0x0  }
0x56: {  	[sflag:s15] =	ssyncadd.s32 $0xFFFFD800  }
0x57: {  	_ =	sfence.sel $0x180000  }
0x58: {  	[bflag:$0x0] =	sbarrier.arrive $0xFFFF  }
0x59: {  	p0 =	sne.s32 s0, $0x0;
	_ =	strace $0x9000004A  }
0x5a: {  	s0 =	sadd.s32 @!p0 $0x100000, s1;
	[bflag:$0x2] =	sbarrier.arrive $0xFFFF  }
0x5b: {  	[sflag:s0] =	ssyncadd.tile.s32 @!p0 $0x1;
	_ =	shalt  }
.Lfunc_end2:
_tile_overlayer_lowered:
.L_overlay_start_2:
0x5c: {  	(tag) =	ssettag $0x2  }
0x5d: {  	s0 =	rddreg [dreg:$0x0];
	s2 =	stileid.u32  }
0x5e: {  	s1 =	rddreg [dreg:$0x1];
	p0 =	sne.s32 s2, $0x0  }
0x5f: {  	s3 =	rddreg [dreg:$0x2];
	[bflag:$0x3] =	sbarrier.arrive $0xFFFF;
	s2 =	simm.s32 @!p0 $0x1C02  }
0x60: {  	[timem:s3], [sflag:s2] =	dma.local @!p0 [hbm:s0], s1  }
0x61: {  	s0 =	simm.s32 @!p0 $0x2  }
0x62: {  	_ =	swait.ge @!p0 [sflag:s0], s1  }
0x63: {  	s1 =	ssub.s32 @!p0 $0x0, s1;
	[sflag:s0] =	ssyncset.done @!p0 $0x0  }
0x64: {  	[sflag:s0] =	ssyncadd.s32 @!p0 s1  }
0x65: {  	[bflag:$0x3] =	sbarrier.arrive $0xFFFF  }
0x66: {  	_ =	shalt  }

// kernel: kernel.14.cloned.1.call-start
scs
__scs_entry_jumppad:
0x0: {  	(pc) =	sbr.rel $0x88, $3  }
0x1: {  	(tag) =	ssettag $0x0;
	lr =	simm.s32 $0x1  }
0x2: {  	[smem:$0x3F9B] =	sst lr;
	_ =	strace $0xD0000000  }
0x3: {  	_ = 	snop  }
0x4: {  	_ = 	snop  }
0x5: {  	_ = 	snop  }
0x6: {  	_ = 	snop  }
0x7: {  	_ = 	snop  }
__scs_overlays_trampoline_lowered:
0x8: {  	[smem:$0x3FAA] =	sst s0  }
0x9: {  	[smem:$0x3FAB] =	sst s1  }
0xa: {  	[smem:$0x3FAC] =	sst s2  }
0xb: {  	[smem:$0x3FAD] =	sst s3  }
0xc: {  	[smem:$0x3FAE] =	sst s4  }
0xd: {  	[smem:$0x3FAF] =	sst s5  }
0xe: {  	[smem:$0x3FB0] =	sst s6  }
0xf: {  	[smem:$0x3FB1] =	sst s7  }
0x10: {  	[smem:$0x3FB2] =	sst s8  }
0x11: {  	[smem:$0x3FB3] =	sst s9;
	s0 =	simm.s32 @!p0 $0x0  }
0x12: {  	s1 =	sld [smem:$0x3F99];
	s0 =	simm.s32 @p0 $0x1  }
0x13: {  	[smem:$0x3FB4] =	sst s0;
	s0 =	simm.s32 @!p1 $0x0  }
0x14: {  	s2 =	sld [smem:$0x3F98];
	s0 =	simm.s32 @p1 $0x1  }
0x15: {  	[smem:$0x3FB5] =	sst s0;
	s0 =	simm.s32 @!p2 $0x0  }
0x16: {  	s3 =	sld [smem:$0x3FDB];
	s0 =	simm.s32 @p2 $0x1  }
0x17: {  	s4 =	simm.s32 $0x1BF5;
	[smem:$0x3FB7] =	sst s0  }
0x18: {  	s0 =	sld [smem:$0x3F9A];
	_ =	swait.ge [sflag:s4], $0x0  }
0x19: {  	s7 =	sld [smem:$0x3F9B]  }
0x1a: {  	s8 =	sadd.s32 $0xFFFFE003, lr  }
0x1b: {  	s9 =	sadd.s32 $0xFFFFFEF7, lr;
	s5 =	simm.s32 $0xFFFFFFFF;
	p2 =	slt.u32 s8, $0xFFFFF086  }
0x1c: {  	p1 =	slt.u32 s9, $0xF7A;
	s5 =	simm.s32 @!p2 $0x0  }
0x1d: {  	s5 =	simm.s32 @p1 $0x1;
	p0 =	seq.s32 s7, s2  }
0x1e: {  	s7 =	smul.u32 @!p0 $0xF7A, s2;
	p2 =	seq.s32 @!p0 s5, $0x0  }
0x1f: {  	s9 =	smul.u32 $0xF7A, s1;
	s8 =	simm.s32 @!p0 $0x1BF5;
	p2 =	por !p2, p0  }
0x20: {  	[sflag:s8] =	ssyncset.s32 @!p0 $0xFFFFF086;
	s6 =	sadd.s32 @!p0 s3, s7;
	s7 =	simm.s32 @!p0 $0x108  }
0x21: {  	s3 =	sadd.s32 s3, s9;
	s6 =	sadd.s32 @!p0 $0x88, s6;
	s7 =	simm.s32 @p2 $0x1082  }
0x22: {  	[simem:s7], [sflag:s8] =	dma.local @!p0 [hbm:s6], $0xF7A  }
0x23: {  	s9 =	sor.u32 $0xD0000000, s2;
	s6 =	simm.s32 $0x108;
	_ =	swait.ge @!p0 [sflag:s8], $0x0  }
0x24: {  	s3 =	sadd.s32 $0x88, s3;
	s6 =	simm.s32 @!p1 $0x1082;
	[sflag:s4] =	ssyncset.s32 $0xFFFFF086  }
0x25: {  	[simem:s6], [sflag:s4] =	dma.local [hbm:s3], $0xF7A  }
0x26: {  	[smem:$0x3F9B] =	sst s1;
	(tag) =	ssettag s2;
	_ =	strace s9  }
0x27: {  	s1 =	sld [smem:$0x3FAB]  }
0x28: {  	s2 =	sld [smem:$0x3FAC]  }
0x29: {  	s4 =	sld [smem:$0x3FAE]  }
0x2a: {  	p0 =	seq.s32 s5, $0x0;
	s5 =	sld [smem:$0x3FAF]  }
0x2b: {  	s6 =	sld [smem:$0x3FB0]  }
0x2c: {  	s7 =	sld [smem:$0x3FB1]  }
0x2d: {  	s3 =	simm.s32 $0x108;
	s8 =	sld [smem:$0x3FB2]  }
0x2e: {  	s3 =	simm.s32 @!p0 $0x1082;
	s9 =	sld [smem:$0x3FB3]  }
0x2f: {  	lr =	sadd.s32 s0, s3;
	s0 =	sld [smem:$0x3FAA]  }
0x30: {  	s3 =	sld [smem:$0x3FAD]  }
0x31: {  	[smem:$0x3FB6] =	sst s10  }
0x32: {  	s10 =	sld [smem:$0x3FB4];
	_ =	sdelay $0x3  }
0x33: {  	p0 =	seq.s32 s10, $0x1;
	s10 =	sld [smem:$0x3FB6];
	_ =	sdelay $0x3  }
0x34: {  	[smem:$0x3FB6] =	sst s10  }
0x35: {  	s10 =	sld [smem:$0x3FB5];
	_ =	sdelay $0x3  }
0x36: {  	p1 =	seq.s32 s10, $0x1;
	s10 =	sld [smem:$0x3FB6];
	_ =	sdelay $0x3  }
0x37: {  	[smem:$0x3FB6] =	sst s10  }
0x38: {  	s10 =	sld [smem:$0x3FB7]  }
0x39: {  	_ = 	snop;
	(pc) =	sbr.ind lr, $3  }
0x3a: {  	_ = 	snop  }
0x3b: {  	_ = 	snop  }
0x3c: {  	p2 =	seq.s32 s10, $0x1;
	s10 =	sld [smem:$0x3FB6]  }
0x3d: {  	_ =	shalt  }
0x3e: {  	_ =	shalt  }
0x3f: {  	_ =	shalt  }
0x40: {  	_ =	shalt  }
0x41: {  	_ =	shalt  }
0x42: {  	_ =	shalt  }
0x43: {  	_ =	shalt  }
0x44: {  	_ =	shalt  }
0x45: {  	_ =	shalt  }
0x46: {  	_ =	shalt  }
0x47: {  	_ =	shalt  }
0x48: {  	_ =	shalt  }
0x49: {  	_ =	shalt  }
0x4a: {  	_ =	shalt  }
0x4b: {  	_ =	shalt  }
0x4c: {  	_ =	shalt  }
0x4d: {  	_ =	shalt  }
0x4e: {  	_ =	shalt  }
0x4f: {  	_ =	shalt  }
0x50: {  	_ =	shalt  }
0x51: {  	_ =	shalt  }
0x52: {  	_ =	shalt  }
0x53: {  	_ =	shalt  }
0x54: {  	_ =	shalt  }
0x55: {  	_ =	shalt  }
0x56: {  	_ =	shalt  }
0x57: {  	_ =	shalt  }
0x58: {  	_ =	shalt  }
0x59: {  	_ =	shalt  }
0x5a: {  	_ =	shalt  }
0x5b: {  	_ =	shalt  }
0x5c: {  	_ =	shalt  }
0x5d: {  	_ =	shalt  }
0x5e: {  	_ =	shalt  }
0x5f: {  	_ =	shalt  }
0x60: {  	_ =	shalt  }
0x61: {  	_ =	shalt  }
0x62: {  	_ =	shalt  }
0x63: {  	_ =	shalt  }
0x64: {  	_ =	shalt  }
0x65: {  	_ =	shalt  }
0x66: {  	_ =	shalt  }
0x67: {  	_ =	shalt  }
0x68: {  	_ =	shalt  }
0x69: {  	_ =	shalt  }
0x6a: {  	_ =	shalt  }
0x6b: {  	_ =	shalt  }
0x6c: {  	_ =	shalt  }
0x6d: {  	_ =	shalt  }
0x6e: {  	_ =	shalt  }
0x6f: {  	_ =	shalt  }
0x70: {  	_ =	shalt  }
0x71: {  	_ =	shalt  }
0x72: {  	_ =	shalt  }
0x73: {  	_ =	shalt  }
0x74: {  	_ =	shalt  }
0x75: {  	_ =	shalt  }
0x76: {  	_ =	shalt  }
0x77: {  	_ =	shalt  }
0x78: {  	_ =	shalt  }
0x79: {  	_ =	shalt  }
0x7a: {  	_ =	shalt  }
0x7b: {  	_ =	shalt  }
0x7c: {  	_ =	shalt  }
0x7d: {  	_ =	shalt  }
0x7e: {  	_ =	shalt  }
0x7f: {  	_ =	shalt  }
0x80: {  	_ =	shalt  }
0x81: {  	_ =	shalt  }
0x82: {  	_ =	shalt  }
0x83: {  	_ =	shalt  }
0x84: {  	_ =	shalt  }
0x85: {  	_ =	shalt  }
0x86: {  	_ =	shalt  }
0x87: {  	_ =	shalt  }
.Lfunc_end0:
.L_simem_size_0:
called_computation.2_lowered:
.L_overlay_start_0:
0x88: {  	s2 =	sld [smem:$0x3FD9]  }
0x89: {  	s3 =	sld [smem:$0x3FFE];
	_ =	sdelay $0x1  }
0x8a: {  	s1 =	srdreg.scid  }
0x8b: {  	s0 =	sand.u32 $0x1, s1  }
0x8c: {  	s17 =	sshll.u32 s0, $0xA;
	s2 =	sadd.s32 s3, s2  }
0x8d: {  	s2 =	sadd.s32 s2, s17  }
0x8e: {  	[smem:$0x3FC2] =	sst s2  }
0x8f: {  	_ = 	snop  }
0x90: {  	s2 =	sld [smem:$0x3FD0];
	(tm) =	ssettm $0x1  }
0x91: {  	s18 =	sld [smem:$0x3FFB];
	_ =	sdelay $0x3  }
0x92: {  	_ =	strace s18  }
0x93: {  	s3 =	sld [smem:$0x3FFC];
	_ =	sdelay $0x3  }
0x94: {  	_ =	strace s3  }
0x95: {  	s3 =	sld [smem:$0x3FFD];
	_ =	sdelay $0x3  }
0x96: {  	_ =	strace s3  }
0x97: {  	_ =	strace $0x8FFFFFFF  }
0x98: {  	s19 =	sld [smem:$0x3FDB];
	_ =	sdelay $0x1  }
0x99: {  	s4 =	simm.s32 $_scs_section_size  }
0x9a: {  	s5 =	simm.s32 $_size__tile_overlayer_lowered;
	s6 =	simm.s32 $_tile_overlayer_lowered  }
0x9b: {  	s22 =	simm.s32 $0x1BFF;
	s21 =	sshll.u32 s6, $0x1;
	s3 =	sadd.s32 s4, s19  }
0x9c: {  	s7 =	simm.s32 $0x0;
	s20 =	sshll.u32 s5, $0x1;
	s5 =	sadd.s32 s21, s3  }
0x9d: {  	[timem:s7], [sflag:s22] =	dma.local [hbm:s5], s20  }
0x9e: {  	_ =	swait.ge [sflag:s22], s20  }
0x9f: {  	s4 =	ssub.s32 $0x0, s20;
	[sflag:s22] =	ssyncset.done $0x0  }
0xa0: {  	[sflag:s22] =	ssyncadd.s32 s4;
	_ =	sdelay $0x1  }
0xa1: {  	s23 =	simm.s32 $0x1B8B  }
0xa2: {  	_ =	swait.ge [sflag:s23], $0x1  }
0xa3: {  	[sflag:s23] =	ssyncset.done $0x0  }
0xa4: {  	s25 =	simm.s32 $0x1B8E;
	s24 =	sld [smem:$0x3FFE];
	[sflag:s23] =	ssyncadd.s32 $0xFFFFFFFF  }
0xa5: {  	s26 =	simm.s32 $execute0_lowered;
	[smem:$0x3FD2] =	sst s25  }
0xa6: {  	s5 =	sshll.u32 s26, $0x1;
	_ =	strace $0x8000004C;
	[dreg:$0x1] =	wrdreg $0xFFFFFFFF  }
0xa7: {  	s28 =	simm.s32 $_size_execute0_lowered;
	s3 =	sadd.s32 s3, s5;
	[dreg:$0x0] =	wrdreg $0x0  }
0xa8: {  	s5 =	sshll.u32 s28, $0x1;
	[dreg:$0x2] =	wrdreg s3  }
0xa9: {  	[dreg:$0x3] =	wrdreg s5  }
0xaa: {  	[dreg:$0x4] =	wrdreg $0xC0  }
0xab: {  	_ =	task [dreg:s7], $0x5FFFF  }
0xac: {  	[dreg:$0x1] =	wrdreg $0xFFFFFFFF  }
0xad: {  	[dreg:$0x0] =	wrdreg $0x60  }
0xae: {  	[dreg:$0x2] =	wrdreg s24  }
0xaf: {  	[dreg:$0x3] =	wrdreg s2  }
0xb0: {  	[dreg:$0x4] =	wrdreg $0x0  }
0xb1: {  	[dreg:$0x5] =	wrdreg $0x9  }
0xb2: {  	_ =	task.clear_ibuf [dreg:s7], $0x6FFFF;
	_ =	strace $0x9000004C  }
0xb3: {  	s29 =	simm.s32 $0x9;
	_ =	strace $0x8000004E  }
0xb4: {  	_ =	swait.ge [sflag:s29], $0x1  }
0xb5: {  	[sflag:s29] =	ssyncadd.s32 $0xFFFFFFFF  }
0xb6: {  	_ =	strace $0x9000004E  }
0xb7: {  	_ =	sfence  }
0xb8: {  	s30 =	sld [smem:$0x0];
	_ =	sdelay $0x2  }
0xb9: {  	s31 =	sshll.u32 s1, $0xD;
	s1 =	sshrl.u32 s1, $0x2  }
0xba: {  	s3 =	sand.u32 $0x4000, s31;
	s1 =	sadd.s32 s1, s30  }
0xbb: {  	s0 =	sor.u32 s3, s0;
	s1 =	sshll.u32 s1, $0x11  }
0xbc: {  	s0 =	sor.u32 s1, s0  }
0xbd: {  	s0 =	sadd.s32 $0x8F2B, s0  }
0xbe: {  	[sflag:s0] =	ssyncadd.remote.s32 $0x1  }
0xbf: {  	_ =	sfence.sel $0xFFFF  }
0xc0: {  	[dreg:$0x0] =	wrdreg $0xFFFFFFFF;
	(pc) =	sbr.abs _section_cstart, $3  }
0xc1: {  	[dreg:$0x1] =	wrdreg $0xFFFFFFFF  }
0xc2: {  	_ =	task.clear_ibuf [dreg:s7], $0x2FFFF;
	_ =	strace $0x9FFFFFFF  }
0xc3: {  	(tm) =	ssettm $0x7FFFFFFF  }
tec
execute0_lowered:
.L_overlay_start_1:
0x0: {  	(tag) =	ssettag $0x1  }
0x1: {  	s6 =	rddreg [dreg:$0x0]  }
0x2: {  	s11 =	rddreg [dreg:$0x1]  }
0x3: {  	s0 =	srdreg.scid;
	s2 =	rddreg [dreg:$0x2]  }
0x4: {  	s3 =	simm.s32 $0x0;
	s15 =	simm.s32 $0x2;
	s16 =	simm.s32 $0x14000  }
0x5: {  	s17 =	simm.s32 $0x16800;
	s18 =	simm.s32 $0x80;
	s5 =	sand.u32 $0x1, s0  }
0x6: {  	s19 =	simm.s32 $0x1;
	s0 =	stileid.u32;
	s7 =	smul.u32 $0x140000, s5  }
0x7: {  	s21 =	simm.s32 $0x0;
	[smem:$0x7FF] =	sst s3;
	s8 =	smul.u32 $0x14000, s0  }
0x8: {  	s4 =	sadd.s32 $0xC800, s6;
	s1 =	sshll.u32 s5, $0x4;
	s9 =	smul.u32 $0x50000, s0  }
0x9: {  	s29 =	ssub.s32 $0x2, s5;
	s20 =	sshll.u32 s0, $0x6;
	s1 =	sor.u32 s0, s1  }
0xa: {  	s31 =	sshrl.u32 s29, $0x1;
	s20 =	sor.u32 $0x1C02, s20;
	s12 =	smul.u32 $0x500, s1  }
0xb: {  	s1 =	rddreg [dreg:$0x3];
	_ =	strace $0x8000004D;
	s7 =	sadd.s32 s8, s7  }
0xc: {  	s30 =	sshrl.u32 s9, $0x2;
	s14 =	ssub.s32 s29, s31;
	s7 =	sshrl.u32 s7, $0x3  }
0xd: {  	s5 =	sadd.s32 s30, s2;
	s10 =	sadd.s32 s12, s6;
	s13 =	sadd.s32 s7, s6  }
0xe: {  	s6 =	sadd.s32 $0x4000, s5;
	s7 =	sadd.s32 $0x8000, s5;
	s8 =	sadd.s32 $0xC000, s5  }
0xf: {  	s9 =	sadd.s32 $0x10000, s5;
	s11 =	sadd.s32 s11, s12;
	s10 =	sadd.s32 $0x2800, s10  }
0x10: {  	v0 =	vimm.f32 $0.0e+00;
	s12 =	sadd.s32 $0x34800, s13;
	s13 =	smax.u32 s14, $0x1;
	s14 =	simm.s32 $0x19000  }
.LBB2_1:
0x11: {  	s22 =	sand.u32 $0xFE00, s3  }
0x12: {  	s23 =	sand.u32 $0x70, s3;
	s24 =	sshrl.u32 s22, $0x2  }
0x13: {  	s22 =	simm.s32 $0x40;
	s24 =	sor.u32 s23, s24;
	s23 =	simm.s32 $0x0  }
.LBB2_2:
0x14: {  	p0 =	sne.s32 s22, $0xFFC0  }
0x15: {  	[tilespmem:s24+$0x19000] =	vst v0;
	s23 =	sadd.s32 $0x10, s23;
	s24 =	smov.u32 s22;
	s22 =	sadd.s32 $0x40, s22  }
.Ltmp0:
0x16: {  	(pc) =	sbr.rel @p0 .LBB2_2-.Ltmp0, $4  }
0x17: {  	_ = 	snop  }
0x18: {  	s24 =	sand.u32 $0xFE00, s24  }
0x19: {  	s25 =	sand.u32 $0x70, s23;
	s24 =	sshrl.u32 s24, $0x2  }
0x1a: {  	s24 =	sor.u32 s25, s24  }
0x1b: {  	[tilespmem:s24+$0x19000] =	vst v0  }
0x1c: {  	[spmem:s5] =	stream.linear.scatter [tilespmem:s14], [sflag:$0x2], $0x4000, $0x38;
	[tilespmem:$0x1D000] =	vst v63  }
0x1d: {  	_ =	swait.ge [sflag:s15], $0x4000  }
0x1e: {  	[sflag:s15] =	ssyncset.done $0x0  }
0x1f: {  	[sflag:s15] =	ssyncadd.s32 $0xFFFFC000  }
0x20: {  	[spmem:s6] =	stream.linear.scatter [tilespmem:s14], [sflag:$0x2], $0x4000, $0x38;
	[tilespmem:$0x1D000] =	vst v63  }
0x21: {  	_ =	swait.ge [sflag:s15], $0x4000  }
0x22: {  	[sflag:s15] =	ssyncset.done $0x0  }
0x23: {  	[sflag:s15] =	ssyncadd.s32 $0xFFFFC000  }
0x24: {  	[spmem:s7] =	stream.linear.scatter [tilespmem:s14], [sflag:$0x2], $0x4000, $0x38;
	[tilespmem:$0x1D000] =	vst v63  }
0x25: {  	_ =	swait.ge [sflag:s15], $0x4000  }
0x26: {  	[sflag:s15] =	ssyncset.done $0x0  }
0x27: {  	[sflag:s15] =	ssyncadd.s32 $0xFFFFC000  }
0x28: {  	[spmem:s8] =	stream.linear.scatter [tilespmem:s14], [sflag:$0x2], $0x4000, $0x38;
	[tilespmem:$0x1D000] =	vst v63  }
0x29: {  	_ =	swait.ge [sflag:s15], $0x4000  }
0x2a: {  	[sflag:s15] =	ssyncset.done $0x0  }
0x2b: {  	[sflag:s15] =	ssyncadd.s32 $0xFFFFC000  }
0x2c: {  	[spmem:s9] =	stream.linear.scatter [tilespmem:s14], [sflag:$0x2], $0x4000, $0x38;
	[tilespmem:$0x1D000] =	vst v63  }
0x2d: {  	_ =	swait.ge [sflag:s15], $0x4000  }
0x2e: {  	[sflag:s15] =	ssyncset.done $0x0  }
0x2f: {  	s22 =	simm.s32 $0x0;
	[sflag:s15] =	ssyncadd.s32 $0xFFFFC000  }
0x30: {  	[tilespmem:s16], [sflag:$0x2] =	stream.linear.gather [hbm4b:s10+s22], $0x2780, $0x38;
	[tilespmem:$0x1D000] =	vst v63  }
0x31: {  	_ =	swait.ge [sflag:s15], $0x2780  }
0x32: {  	[sflag:s15] =	ssyncset.done $0x0  }
0x33: {  	[sflag:s15] =	ssyncadd.s32 $0xFFFFD880  }
0x34: {  	[tilespmem:s17], [sflag:$0x2] =	stream.linear.gather [hbm4b:s11+s22], $0x2780, $0x38;
	[tilespmem:$0x1D000] =	vst v63  }
0x35: {  	_ =	swait.ge [sflag:s15], $0x2780  }
0x36: {  	[sflag:s15] =	ssyncset.done $0x0  }
0x37: {  	[sflag:s15] =	ssyncadd.s32 $0xFFFFD880  }
0x38: {  	s30 =	simm.s32 $0x14000;
	[bflag:$0x0] =	sbarrier.arrive $0xFFFF  }
0x39: {  	[tilespmem:s14], [sflag:$0x1] =	stream.indirect.gather [hbm4b:s4+s18], $0x80, s30, s18, $0xb8;
	[tilespmem:$0x1D000] =	vst v63  }
0x3a: {  	_ =	swait.ge [sflag:s19], $0x4000  }
0x3b: {  	[sflag:s19] =	ssyncset.done $0x0  }
0x3c: {  	s31 =	simm.s32 $0x16800;
	[sflag:s19] =	ssyncadd.s32 $0xFFFFC000  }
0x3d: {  	[spmem:s2] =	stream.indirect.scatter.add.f32 [tilespmem:s14], [sflag:$0x2], $0x80, s31, s18, $0xb8;
	[tilespmem:$0x1D000] =	vst v63  }
0x3e: {  	_ =	swait.ge [sflag:s15], $0x4000  }
0x3f: {  	s23 =	simm.s32 $0x400;
	s22 =	simm.s32 $0x80;
	[sflag:s15] =	ssyncset.done $0x0  }
.LBB2_4:
0x40: {  	s24 =	sadd.s32 $0x14000, s22  }
0x41: {  	[sflag:s15] =	ssyncadd.s32 $0xFFFFC000;
	s25 =	smov.u32 s23;
	s26 =	sadd.s32 $0x200, s23  }
0x42: {  	[tilespmem:s14], [sflag:$0x1] =	stream.indirect.gather [hbm4b:s4+s18], $0x80, s24, s18, $0xb8;
	[tilespmem:$0x1D000] =	vst v63  }
0x43: {  	p0 =	sne.s32 s23, $0x9C00;
	_ =	swait.ge [sflag:s19], $0x4000  }
.Ltmp1:
0x44: {  	[sflag:s19] =	ssyncset.done $0x0;
	(pc) =	sbr.rel @p0 .LBB2_4-.Ltmp1, $4  }
0x45: {  	s22 =	sadd.s32 $0x16800, s22;
	[sflag:s19] =	ssyncadd.s32 $0xFFFFC000  }
0x46: {  	[spmem:s2] =	stream.indirect.scatter.add.f32 [tilespmem:s14], [sflag:$0x2], $0x80, s22, s18, $0xb8;
	[tilespmem:$0x1D000] =	vst v63  }
0x47: {  	_ =	swait.ge [sflag:s15], $0x4000  }
0x48: {  	s23 =	smov.u32 s26;
	s22 =	sshra.s32 s25, $0x2;
	[sflag:s15] =	ssyncset.done $0x0  }
0x49: {  	s23 =	sadd.s32 $0x14000, s22;
	[sflag:s15] =	ssyncadd.s32 $0xFFFFC000  }
0x4a: {  	[tilespmem:s14], [sflag:$0x1] =	stream.indirect.gather [hbm4b:s4+s18], $0x80, s23, s18, $0xb8;
	[tilespmem:$0x1D000] =	vst v63  }
0x4b: {  	_ =	swait.ge [sflag:s19], $0x4000  }
0x4c: {  	[sflag:s19] =	ssyncset.done $0x0  }
0x4d: {  	s30 =	sadd.s32 $0x16800, s22;
	[sflag:s19] =	ssyncadd.s32 $0xFFFFC000  }
0x4e: {  	[spmem:s2] =	stream.indirect.scatter.add.f32 [tilespmem:s14], [sflag:$0x2], $0x80, s30, s18, $0xb8;
	[tilespmem:$0x1D000] =	vst v63  }
0x4f: {  	_ =	swait.ge [sflag:s15], $0x4000  }
0x50: {  	s21 =	sadd.s32 $0x1, s21;
	[sflag:s15] =	ssyncset.done $0x0  }
0x51: {  	p0 =	sne.s32 s21, s13;
	[sflag:s15] =	ssyncadd.s32 $0xFFFFC000  }
.Ltmp2:
0x52: {  	s31 =	sshrl.u32 s5, $0x3;
	[bflag:$0x0] =	sbarrier.arrive $0xFFFF;
	(pc) =	sbr.rel @p0 .LBB2_1-.Ltmp2, $4  }
0x53: {  	[hbm:s12], [sflag:s20] =	dma.local [spmem:s31], $0x2800  }
0x54: {  	_ =	swait.ge [sflag:s15], $0x2800  }
0x55: {  	[sflag:s15] =	ssyncset.done $0x0  }
0x56: {  	[sflag:s15] =	ssyncadd.s32 $0xFFFFD800  }
0x57: {  	_ =	sfence.sel $0x180000  }
0x58: {  	[bflag:$0x0] =	sbarrier.arrive $0xFFFF  }
0x59: {  	p0 =	sne.s32 s0, $0x0;
	_ =	strace $0x9000004D  }
0x5a: {  	s0 =	sadd.s32 @!p0 $0x100000, s1;
	[bflag:$0x2] =	sbarrier.arrive $0xFFFF  }
0x5b: {  	[sflag:s0] =	ssyncadd.tile.s32 @!p0 $0x1;
	_ =	shalt  }
.Lfunc_end2:
_tile_overlayer_lowered:
.L_overlay_start_2:
0x5c: {  	(tag) =	ssettag $0x2  }
0x5d: {  	s0 =	rddreg [dreg:$0x0];
	s2 =	stileid.u32  }
0x5e: {  	s1 =	rddreg [dreg:$0x1];
	p0 =	sne.s32 s2, $0x0  }
0x5f: {  	s3 =	rddreg [dreg:$0x2];
	[bflag:$0x3] =	sbarrier.arrive $0xFFFF;
	s2 =	simm.s32 @!p0 $0x1C02  }
0x60: {  	[timem:s3], [sflag:s2] =	dma.local @!p0 [hbm:s0], s1  }
0x61: {  	s0 =	simm.s32 @!p0 $0x2  }
0x62: {  	_ =	swait.ge @!p0 [sflag:s0], s1  }
0x63: {  	s1 =	ssub.s32 @!p0 $0x0, s1;
	[sflag:s0] =	ssyncset.done @!p0 $0x0  }
0x64: {  	[sflag:s0] =	ssyncadd.s32 @!p0 s1  }
0x65: {  	[bflag:$0x3] =	sbarrier.arrive $0xFFFF  }
0x66: {  	_ =	shalt  }

// kernel: kernel.8.cloned.1.call-start
scs
__scs_entry_jumppad:
0x0: {  	(pc) =	sbr.rel $0x88, $3  }
0x1: {  	(tag) =	ssettag $0x0;
	lr =	simm.s32 $0x1  }
0x2: {  	[smem:$0x3F9B] =	sst lr;
	_ =	strace $0xD0000000  }
0x3: {  	_ = 	snop  }
0x4: {  	_ = 	snop  }
0x5: {  	_ = 	snop  }
0x6: {  	_ = 	snop  }
0x7: {  	_ = 	snop  }
__scs_overlays_trampoline_lowered:
0x8: {  	[smem:$0x3FAA] =	sst s0  }
0x9: {  	[smem:$0x3FAB] =	sst s1  }
0xa: {  	[smem:$0x3FAC] =	sst s2  }
0xb: {  	[smem:$0x3FAD] =	sst s3  }
0xc: {  	[smem:$0x3FAE] =	sst s4  }
0xd: {  	[smem:$0x3FAF] =	sst s5  }
0xe: {  	[smem:$0x3FB0] =	sst s6  }
0xf: {  	[smem:$0x3FB1] =	sst s7  }
0x10: {  	[smem:$0x3FB2] =	sst s8  }
0x11: {  	[smem:$0x3FB3] =	sst s9;
	s0 =	simm.s32 @!p0 $0x0  }
0x12: {  	s1 =	sld [smem:$0x3F99];
	s0 =	simm.s32 @p0 $0x1  }
0x13: {  	[smem:$0x3FB4] =	sst s0;
	s0 =	simm.s32 @!p1 $0x0  }
0x14: {  	s2 =	sld [smem:$0x3F98];
	s0 =	simm.s32 @p1 $0x1  }
0x15: {  	[smem:$0x3FB5] =	sst s0;
	s0 =	simm.s32 @!p2 $0x0  }
0x16: {  	s3 =	sld [smem:$0x3FDB];
	s0 =	simm.s32 @p2 $0x1  }
0x17: {  	s4 =	simm.s32 $0x1BF5;
	[smem:$0x3FB7] =	sst s0  }
0x18: {  	s0 =	sld [smem:$0x3F9A];
	_ =	swait.ge [sflag:s4], $0x0  }
0x19: {  	s7 =	sld [smem:$0x3F9B]  }
0x1a: {  	s8 =	sadd.s32 $0xFFFFE003, lr  }
0x1b: {  	s9 =	sadd.s32 $0xFFFFFEF7, lr;
	s5 =	simm.s32 $0xFFFFFFFF;
	p2 =	slt.u32 s8, $0xFFFFF086  }
0x1c: {  	p1 =	slt.u32 s9, $0xF7A;
	s5 =	simm.s32 @!p2 $0x0  }
0x1d: {  	s5 =	simm.s32 @p1 $0x1;
	p0 =	seq.s32 s7, s2  }
0x1e: {  	s7 =	smul.u32 @!p0 $0xF7A, s2;
	p2 =	seq.s32 @!p0 s5, $0x0  }
0x1f: {  	s9 =	smul.u32 $0xF7A, s1;
	s8 =	simm.s32 @!p0 $0x1BF5;
	p2 =	por !p2, p0  }
0x20: {  	[sflag:s8] =	ssyncset.s32 @!p0 $0xFFFFF086;
	s6 =	sadd.s32 @!p0 s3, s7;
	s7 =	simm.s32 @!p0 $0x108  }
0x21: {  	s3 =	sadd.s32 s3, s9;
	s6 =	sadd.s32 @!p0 $0x88, s6;
	s7 =	simm.s32 @p2 $0x1082  }
0x22: {  	[simem:s7], [sflag:s8] =	dma.local @!p0 [hbm:s6], $0xF7A  }
0x23: {  	s9 =	sor.u32 $0xD0000000, s2;
	s6 =	simm.s32 $0x108;
	_ =	swait.ge @!p0 [sflag:s8], $0x0  }
0x24: {  	s3 =	sadd.s32 $0x88, s3;
	s6 =	simm.s32 @!p1 $0x1082;
	[sflag:s4] =	ssyncset.s32 $0xFFFFF086  }
0x25: {  	[simem:s6], [sflag:s4] =	dma.local [hbm:s3], $0xF7A  }
0x26: {  	[smem:$0x3F9B] =	sst s1;
	(tag) =	ssettag s2;
	_ =	strace s9  }
0x27: {  	s1 =	sld [smem:$0x3FAB]  }
0x28: {  	s2 =	sld [smem:$0x3FAC]  }
0x29: {  	s4 =	sld [smem:$0x3FAE]  }
0x2a: {  	p0 =	seq.s32 s5, $0x0;
	s5 =	sld [smem:$0x3FAF]  }
0x2b: {  	s6 =	sld [smem:$0x3FB0]  }
0x2c: {  	s7 =	sld [smem:$0x3FB1]  }
0x2d: {  	s3 =	simm.s32 $0x108;
	s8 =	sld [smem:$0x3FB2]  }
0x2e: {  	s3 =	simm.s32 @!p0 $0x1082;
	s9 =	sld [smem:$0x3FB3]  }
0x2f: {  	lr =	sadd.s32 s0, s3;
	s0 =	sld [smem:$0x3FAA]  }
0x30: {  	s3 =	sld [smem:$0x3FAD]  }
0x31: {  	[smem:$0x3FB6] =	sst s10  }
0x32: {  	s10 =	sld [smem:$0x3FB4];
	_ =	sdelay $0x3  }
0x33: {  	p0 =	seq.s32 s10, $0x1;
	s10 =	sld [smem:$0x3FB6];
	_ =	sdelay $0x3  }
0x34: {  	[smem:$0x3FB6] =	sst s10  }
0x35: {  	s10 =	sld [smem:$0x3FB5];
	_ =	sdelay $0x3  }
0x36: {  	p1 =	seq.s32 s10, $0x1;
	s10 =	sld [smem:$0x3FB6];
	_ =	sdelay $0x3  }
0x37: {  	[smem:$0x3FB6] =	sst s10  }
0x38: {  	s10 =	sld [smem:$0x3FB7]  }
0x39: {  	_ = 	snop;
	(pc) =	sbr.ind lr, $3  }
0x3a: {  	_ = 	snop  }
0x3b: {  	_ = 	snop  }
0x3c: {  	p2 =	seq.s32 s10, $0x1;
	s10 =	sld [smem:$0x3FB6]  }
0x3d: {  	_ =	shalt  }
0x3e: {  	_ =	shalt  }
0x3f: {  	_ =	shalt  }
0x40: {  	_ =	shalt  }
0x41: {  	_ =	shalt  }
0x42: {  	_ =	shalt  }
0x43: {  	_ =	shalt  }
0x44: {  	_ =	shalt  }
0x45: {  	_ =	shalt  }
0x46: {  	_ =	shalt  }
0x47: {  	_ =	shalt  }
0x48: {  	_ =	shalt  }
0x49: {  	_ =	shalt  }
0x4a: {  	_ =	shalt  }
0x4b: {  	_ =	shalt  }
0x4c: {  	_ =	shalt  }
0x4d: {  	_ =	shalt  }
0x4e: {  	_ =	shalt  }
0x4f: {  	_ =	shalt  }
0x50: {  	_ =	shalt  }
0x51: {  	_ =	shalt  }
0x52: {  	_ =	shalt  }
0x53: {  	_ =	shalt  }
0x54: {  	_ =	shalt  }
0x55: {  	_ =	shalt  }
0x56: {  	_ =	shalt  }
0x57: {  	_ =	shalt  }
0x58: {  	_ =	shalt  }
0x59: {  	_ =	shalt  }
0x5a: {  	_ =	shalt  }
0x5b: {  	_ =	shalt  }
0x5c: {  	_ =	shalt  }
0x5d: {  	_ =	shalt  }
0x5e: {  	_ =	shalt  }
0x5f: {  	_ =	shalt  }
0x60: {  	_ =	shalt  }
0x61: {  	_ =	shalt  }
0x62: {  	_ =	shalt  }
0x63: {  	_ =	shalt  }
0x64: {  	_ =	shalt  }
0x65: {  	_ =	shalt  }
0x66: {  	_ =	shalt  }
0x67: {  	_ =	shalt  }
0x68: {  	_ =	shalt  }
0x69: {  	_ =	shalt  }
0x6a: {  	_ =	shalt  }
0x6b: {  	_ =	shalt  }
0x6c: {  	_ =	shalt  }
0x6d: {  	_ =	shalt  }
0x6e: {  	_ =	shalt  }
0x6f: {  	_ =	shalt  }
0x70: {  	_ =	shalt  }
0x71: {  	_ =	shalt  }
0x72: {  	_ =	shalt  }
0x73: {  	_ =	shalt  }
0x74: {  	_ =	shalt  }
0x75: {  	_ =	shalt  }
0x76: {  	_ =	shalt  }
0x77: {  	_ =	shalt  }
0x78: {  	_ =	shalt  }
0x79: {  	_ =	shalt  }
0x7a: {  	_ =	shalt  }
0x7b: {  	_ =	shalt  }
0x7c: {  	_ =	shalt  }
0x7d: {  	_ =	shalt  }
0x7e: {  	_ =	shalt  }
0x7f: {  	_ =	shalt  }
0x80: {  	_ =	shalt  }
0x81: {  	_ =	shalt  }
0x82: {  	_ =	shalt  }
0x83: {  	_ =	shalt  }
0x84: {  	_ =	shalt  }
0x85: {  	_ =	shalt  }
0x86: {  	_ =	shalt  }
0x87: {  	_ =	shalt  }
.Lfunc_end0:
.L_simem_size_0:
called_computation_lowered:
.L_overlay_start_0:
0x88: {  	s2 =	sld [smem:$0x3FD9]  }
0x89: {  	s3 =	sld [smem:$0x3FFE];
	_ =	sdelay $0x1  }
0x8a: {  	s1 =	srdreg.scid  }
0x8b: {  	s0 =	sand.u32 $0x1, s1  }
0x8c: {  	s17 =	sshll.u32 s0, $0xA;
	s2 =	sadd.s32 s3, s2  }
0x8d: {  	s2 =	sadd.s32 s2, s17  }
0x8e: {  	[smem:$0x3FC2] =	sst s2  }
0x8f: {  	_ = 	snop  }
0x90: {  	s2 =	sld [smem:$0x3FD0];
	(tm) =	ssettm $0x1  }
0x91: {  	s18 =	sld [smem:$0x3FFB];
	_ =	sdelay $0x3  }
0x92: {  	_ =	strace s18  }
0x93: {  	s3 =	sld [smem:$0x3FFC];
	_ =	sdelay $0x3  }
0x94: {  	_ =	strace s3  }
0x95: {  	s3 =	sld [smem:$0x3FFD];
	_ =	sdelay $0x3  }
0x96: {  	_ =	strace s3  }
0x97: {  	_ =	strace $0x8FFFFFFF  }
0x98: {  	s19 =	sld [smem:$0x3FDB];
	_ =	sdelay $0x1  }
0x99: {  	s4 =	simm.s32 $_scs_section_size  }
0x9a: {  	s5 =	simm.s32 $_size__tile_overlayer_lowered;
	s6 =	simm.s32 $_tile_overlayer_lowered  }
0x9b: {  	s22 =	simm.s32 $0x1BFF;
	s21 =	sshll.u32 s6, $0x1;
	s3 =	sadd.s32 s4, s19  }
0x9c: {  	s7 =	simm.s32 $0x0;
	s20 =	sshll.u32 s5, $0x1;
	s5 =	sadd.s32 s21, s3  }
0x9d: {  	[timem:s7], [sflag:s22] =	dma.local [hbm:s5], s20  }
0x9e: {  	_ =	swait.ge [sflag:s22], s20  }
0x9f: {  	s4 =	ssub.s32 $0x0, s20;
	[sflag:s22] =	ssyncset.done $0x0  }
0xa0: {  	[sflag:s22] =	ssyncadd.s32 s4;
	_ =	sdelay $0x1  }
0xa1: {  	s23 =	simm.s32 $0x1B8B  }
0xa2: {  	_ =	swait.ge [sflag:s23], $0x1  }
0xa3: {  	[sflag:s23] =	ssyncset.done $0x0  }
0xa4: {  	s25 =	simm.s32 $0x1B8E;
	s24 =	sld [smem:$0x3FFE];
	[sflag:s23] =	ssyncadd.s32 $0xFFFFFFFF  }
0xa5: {  	s26 =	simm.s32 $execute0_lowered;
	[smem:$0x3FD2] =	sst s25  }
0xa6: {  	s5 =	sshll.u32 s26, $0x1;
	_ =	strace $0x80000046;
	[dreg:$0x1] =	wrdreg $0xFFFFFFFF  }
0xa7: {  	s28 =	simm.s32 $_size_execute0_lowered;
	s3 =	sadd.s32 s3, s5;
	[dreg:$0x0] =	wrdreg $0x0  }
0xa8: {  	s5 =	sshll.u32 s28, $0x1;
	[dreg:$0x2] =	wrdreg s3  }
0xa9: {  	[dreg:$0x3] =	wrdreg s5  }
0xaa: {  	[dreg:$0x4] =	wrdreg $0xC0  }
0xab: {  	_ =	task [dreg:s7], $0x5FFFF  }
0xac: {  	[dreg:$0x1] =	wrdreg $0xFFFFFFFF  }
0xad: {  	[dreg:$0x0] =	wrdreg $0x60  }
0xae: {  	[dreg:$0x2] =	wrdreg s2  }
0xaf: {  	[dreg:$0x3] =	wrdreg s24  }
0xb0: {  	[dreg:$0x4] =	wrdreg $0x0  }
0xb1: {  	[dreg:$0x5] =	wrdreg $0x9  }
0xb2: {  	_ =	task.clear_ibuf [dreg:s7], $0x6FFFF;
	_ =	strace $0x90000046  }
0xb3: {  	s29 =	simm.s32 $0x9;
	_ =	strace $0x80000048  }
0xb4: {  	_ =	swait.ge [sflag:s29], $0x1  }
0xb5: {  	[sflag:s29] =	ssyncadd.s32 $0xFFFFFFFF  }
0xb6: {  	_ =	strace $0x90000048  }
0xb7: {  	_ =	sfence  }
0xb8: {  	s30 =	sld [smem:$0x0];
	_ =	sdelay $0x2  }
0xb9: {  	s31 =	sshll.u32 s1, $0xD;
	s1 =	sshrl.u32 s1, $0x2  }
0xba: {  	s3 =	sand.u32 $0x4000, s31;
	s1 =	sadd.s32 s1, s30  }
0xbb: {  	s0 =	sor.u32 s3, s0;
	s1 =	sshll.u32 s1, $0x11  }
0xbc: {  	s0 =	sor.u32 s1, s0  }
0xbd: {  	s0 =	sadd.s32 $0x8F2B, s0  }
0xbe: {  	[sflag:s0] =	ssyncadd.remote.s32 $0x1  }
0xbf: {  	_ =	sfence.sel $0xFFFF  }
0xc0: {  	[dreg:$0x0] =	wrdreg $0xFFFFFFFF;
	(pc) =	sbr.abs _section_cstart, $3  }
0xc1: {  	[dreg:$0x1] =	wrdreg $0xFFFFFFFF  }
0xc2: {  	_ =	task.clear_ibuf [dreg:s7], $0x2FFFF;
	_ =	strace $0x9FFFFFFF  }
0xc3: {  	(tm) =	ssettm $0x7FFFFFFF  }
tec
execute0_lowered:
.L_overlay_start_1:
0x0: {  	(tag) =	ssettag $0x1  }
0x1: {  	s5 =	rddreg [dreg:$0x0]  }
0x2: {  	s4 =	rddreg [dreg:$0x1]  }
0x3: {  	s2 =	rddreg [dreg:$0x2]  }
0x4: {  	s0 =	rddreg [dreg:$0x3];
	s6 =	srdreg.scid  }
0x5: {  	s1 =	stileid.u32;
	s3 =	simm.s32 $0x0;
	s11 =	simm.s32 $0x80  }
0x6: {  	s12 =	simm.s32 $0x2A80;
	s15 =	simm.s32 $0x20;
	s16 =	simm.s32 $0x10  }
0x7: {  	s17 =	simm.s32 $0x0;
	s6 =	sand.u32 $0x1, s6;
	s7 =	smul.u32 $0x500, s1  }
0x8: {  	[smem:$0x7FF] =	sst s3;
	s9 =	smul.u32 $0xA00, s1;
	s13 =	sshll.u32 s1, $0x6  }
0x9: {  	s8 =	sshll.u32 s6, $0x7;
	_ =	strace $0x80000047;
	s30 =	sshll.u32 s6, $0x4  }
0xa: {  	s6 =	ssub.s32 $0x2, s6;
	s13 =	sor.u32 $0x1C01, s13;
	s7 =	sor.u32 s8, s7  }
0xb: {  	s8 =	sor.u32 s1, s30;
	s10 =	sshrl.u32 s6, $0x1;
	s31 =	sshrl.u32 s9, $0x2  }
0xc: {  	s9 =	simm.s32 $0x1;
	s7 =	sshrl.u32 s7, $0x3;
	s8 =	smul.u32 $0x500, s8  }
0xd: {  	s10 =	ssub.s32 s6, s10;
	s7 =	sadd.s32 s7, s4;
	s4 =	sadd.s32 s31, s2  }
0xe: {  	s5 =	sadd.s32 s5, s8;
	s6 =	sadd.s32 $0x1E00, s7;
	s7 =	smax.u32 s10, $0x1  }
0xf: {  	v0 =	vimm.f32 $1.000000000e+00;
	v1 =	vimm.f32 $0.0e+00;
	s8 =	simm.s32 $0x2B00;
	s10 =	simm.s32 $0x280;
	s14 =	sshrl.u32 s4, $0x3  }
.LBB2_1:
0x10: {  	[tilespmem:$0x2A80] =	vst v0  }
0x11: {  	[tilespmem:$0x2A90] =	vst v0  }
0x12: {  	[tilespmem:$0x2AA0] =	vst v0  }
0x13: {  	[tilespmem:$0x2AB0] =	vst v0  }
0x14: {  	[tilespmem:$0x2AC0] =	vst v0  }
0x15: {  	[tilespmem:$0x2AD0] =	vst v0  }
0x16: {  	[tilespmem:$0x2AE0] =	vst v0  }
0x17: {  	[tilespmem:$0x2AF0] =	vst v0  }
0x18: {  	[tilespmem:$0x2B00] =	vst v1  }
0x19: {  	[tilespmem:$0x2B10] =	vst v1  }
0x1a: {  	[tilespmem:$0x2B20] =	vst v1  }
0x1b: {  	[tilespmem:$0x2B30] =	vst v1  }
0x1c: {  	[tilespmem:$0x2B40] =	vst v1  }
0x1d: {  	[tilespmem:$0x2B50] =	vst v1  }
0x1e: {  	[tilespmem:$0x2B60] =	vst v1  }
0x1f: {  	[tilespmem:$0x2B70] =	vst v1  }
0x20: {  	[tilespmem:$0x2B80] =	vst v1  }
0x21: {  	[tilespmem:$0x2B90] =	vst v1  }
0x22: {  	[tilespmem:$0x2BA0] =	vst v1  }
0x23: {  	[tilespmem:$0x2BB0] =	vst v1  }
0x24: {  	[tilespmem:$0x2BC0] =	vst v1  }
0x25: {  	[tilespmem:$0x2BD0] =	vst v1  }
0x26: {  	[tilespmem:$0x2BE0] =	vst v1  }
0x27: {  	[tilespmem:$0x2BF0] =	vst v1  }
0x28: {  	[tilespmem:$0x2C00] =	vst v1  }
0x29: {  	[tilespmem:$0x2C10] =	vst v1  }
0x2a: {  	[tilespmem:$0x2C20] =	vst v1  }
0x2b: {  	[tilespmem:$0x2C30] =	vst v1  }
0x2c: {  	[tilespmem:$0x2C40] =	vst v1  }
0x2d: {  	[tilespmem:$0x2C50] =	vst v1  }
0x2e: {  	[tilespmem:$0x2C60] =	vst v1  }
0x2f: {  	[tilespmem:$0x2C70] =	vst v1  }
0x30: {  	[tilespmem:$0x2C80] =	vst v1  }
0x31: {  	[tilespmem:$0x2C90] =	vst v1  }
0x32: {  	[tilespmem:$0x2CA0] =	vst v1  }
0x33: {  	[tilespmem:$0x2CB0] =	vst v1  }
0x34: {  	[tilespmem:$0x2CC0] =	vst v1  }
0x35: {  	[tilespmem:$0x2CD0] =	vst v1  }
0x36: {  	[tilespmem:$0x2CE0] =	vst v1  }
0x37: {  	[tilespmem:$0x2CF0] =	vst v1  }
0x38: {  	[tilespmem:$0x2D00] =	vst v1  }
0x39: {  	[tilespmem:$0x2D10] =	vst v1  }
0x3a: {  	[tilespmem:$0x2D20] =	vst v1  }
0x3b: {  	[tilespmem:$0x2D30] =	vst v1  }
0x3c: {  	[tilespmem:$0x2D40] =	vst v1  }
0x3d: {  	[tilespmem:$0x2D50] =	vst v1  }
0x3e: {  	[tilespmem:$0x2D60] =	vst v1  }
0x3f: {  	[tilespmem:$0x2D70] =	vst v1  }
0x40: {  	[spmem:s4] =	stream.linear.scatter [tilespmem:s8], [sflag:$0x1], $0x280, $0x38;
	[tilespmem:$0x2D80] =	vst v63  }
0x41: {  	_ =	swait.ge [sflag:s9], $0x280  }
0x42: {  	[sflag:s9] =	ssyncset.done $0x0  }
0x43: {  	[sflag:s9] =	ssyncadd.s32 $0xFFFFFD80  }
0x44: {  	[tilespmem:s10], [sflag:$0x1] =	stream.linear.gather [hbm4b:s5+s3], $0x2780, $0x38;
	[tilespmem:$0x2D80] =	vst v63  }
0x45: {  	_ =	swait.ge [sflag:s9], $0x2780  }
0x46: {  	[sflag:s9] =	ssyncset.done $0x0  }
0x47: {  	[sflag:s9] =	ssyncadd.s32 $0xFFFFD880  }
0x48: {  	s18 =	simm.s32 $0x280;
	[bflag:$0x0] =	sbarrier.arrive $0xFFFF  }
0x49: {  	[spmem:s2] =	stream.indirect.scatter.add.f32 [tilespmem:s12], [sflag:$0x1], $0x1, s18, s11, $0xb8;
	[tilespmem:$0x2D80] =	vst v63  }
0x4a: {  	s18 =	simm.s32 $0x200;
	_ =	swait.ge [sflag:s9], $0x80  }
.LBB2_2:
0x4b: {  	s19 =	sshra.s32 s18, $0x2;
	[sflag:s9] =	ssyncset.done $0x0;
	p0 =	sne.s32 s18, $0x9C00  }
.Ltmp0:
0x4c: {  	s19 =	sadd.s32 $0x280, s19;
	[sflag:s9] =	ssyncadd.s32 $0xFFFFFF80;
	(pc) =	sbr.rel @p0 .LBB2_2-.Ltmp0, $3  }
0x4d: {  	[spmem:s2] =	stream.indirect.scatter.add.f32 [tilespmem:s12], [sflag:$0x1], $0x1, s19, s11, $0xb8;
	[tilespmem:$0x2D80] =	vst v63  }
0x4e: {  	s18 =	sadd.s32 $0x200, s18;
	_ =	sdelay $0x1  }
0x4f: {  	_ =	swait.ge [sflag:s9], $0x80  }
0x50: {  	[sflag:s9] =	ssyncset.done $0x0;
	s17 =	sadd.s32 $0x1, s17  }
0x51: {  	[sflag:s9] =	ssyncadd.s32 $0xFFFFFF80;
	p0 =	sne.s32 s17, s7  }
.Ltmp1:
0x52: {  	[bflag:$0x0] =	sbarrier.arrive $0xFFFF;
	(pc) =	sbr.rel @p0 .LBB2_1-.Ltmp1, $4  }
0x53: {  	[hbm:s6@s15], [sflag:s13] =	dma.strided [spmem:s14@s16], $0x50, s9, $0x10   }
0x54: {  	_ =	swait.ge [sflag:s9], $0x50  }
0x55: {  	[sflag:s9] =	ssyncset.done $0x0  }
0x56: {  	[sflag:s9] =	ssyncadd.s32 $0xFFFFFFB0  }
0x57: {  	_ =	sfence.sel $0x180000  }
0x58: {  	[bflag:$0x0] =	sbarrier.arrive $0xFFFF  }
0x59: {  	p0 =	sne.s32 s1, $0x0;
	_ =	strace $0x90000047  }
0x5a: {  	s0 =	sadd.s32 @!p0 $0x100000, s0;
	[bflag:$0x2] =	sbarrier.arrive $0xFFFF  }
0x5b: {  	[sflag:s0] =	ssyncadd.tile.s32 @!p0 $0x1;
	_ =	shalt  }
.Lfunc_end2:
_tile_overlayer_lowered:
.L_overlay_start_2:
0x5c: {  	(tag) =	ssettag $0x2  }
0x5d: {  	s0 =	rddreg [dreg:$0x0];
	s2 =	stileid.u32  }
0x5e: {  	s1 =	rddreg [dreg:$0x1];
	p0 =	sne.s32 s2, $0x0  }
0x5f: {  	s3 =	rddreg [dreg:$0x2];
	[bflag:$0x3] =	sbarrier.arrive $0xFFFF;
	s2 =	simm.s32 @!p0 $0x1C01  }
0x60: {  	[timem:s3], [sflag:s2] =	dma.local @!p0 [hbm:s0], s1  }
0x61: {  	s0 =	simm.s32 @!p0 $0x1  }
0x62: {  	_ =	swait.ge @!p0 [sflag:s0], s1  }
0x63: {  	s1 =	ssub.s32 @!p0 $0x0, s1;
	[sflag:s0] =	ssyncset.done @!p0 $0x0  }
0x64: {  	[sflag:s0] =	ssyncadd.s32 @!p0 s1  }
0x65: {  	[bflag:$0x3] =	sbarrier.arrive $0xFFFF  }
0x66: {  	_ =	shalt  }

</sc_bundles>
